<compile_context>
chip_gen: v7x
topology: tpu7x:2x2x1
jax: 0.10.2.dev20260603
libtpu: 0.0.44.dev20260713+nightly
codegen_flags: <defaults>
</compile_context>

<pallas_src>
import functools

import jax
import jax.numpy as jnp
from jax import lax
from jax.experimental import pallas as pl
from jax.experimental.pallas import tpu as pltpu
from jax.experimental.pallas import tpu_sc as plsc

_N = 10000
_E = 320000
_D = 128
_DG = 16
_NC = 2
_NS = 16
_NW = _NC * _NS
_EP = 327680
_EPW = _EP // _NW
_B = 128
_NCH = _EPW // _B
_NPAIR = _NCH // 2
_NP = 10112
_RPT = _NP // _NS

_mesh = plsc.VectorSubcoreMesh(core_axis_name="c", subcore_axis_name="s")


@functools.partial(
    pl.kernel,
    out_type=(
        jax.ShapeDtypeStruct((_NC, _NP, _D), jnp.float32),
        jax.ShapeDtypeStruct((_NC, _NP, _DG), jnp.float32),
    ),
    mesh=_mesh,
    scratch_types=[
        pltpu.VMEM_SHARED((_NP, _D), jnp.float32),
        pltpu.VMEM_SHARED((_NP, _DG), jnp.float32),
        pltpu.VMEM((12, _B), jnp.int32),
        pltpu.VMEM((_B, _D), jnp.float32),
        pltpu.VMEM((_B, _D), jnp.float32),
        pltpu.VMEM((_B, _DG), jnp.float32),
        pltpu.SemaphoreType.DMA,
        pltpu.SemaphoreType.DMA,
        pltpu.SemaphoreType.DMA,
        pltpu.SemaphoreType.DMA,
        pltpu.SemaphoreType.DMA,
        pltpu.SemaphoreType.DMA,
    ],
    compiler_params=pltpu.CompilerParams(use_tc_tiling_on_sc=False),
)
def _sc_aggregate(xp, eidx, out_f, out_d, acc, dacc, idxb, rows0, rows1, ones_v,
                  gsem0, gsem1, ssem0, ssem1, dsem, isem):
    c = lax.axis_index("c")
    s = lax.axis_index("s")
    wid = s * _NC + c
    off = pl.multiple_of(s * _RPT, 8)

    zero16 = jnp.zeros((16,), jnp.float32)

    def zrows_row(r, carry):
        for k in range(_D // 16):
            rows0[r, pl.ds(16 * k, 16)] = zero16
        ones_v[r, pl.ds(0, 16)] = jnp.full((16,), 1.0 / _DG, jnp.float32)
        return carry

    lax.fori_loop(0, _B, zrows_row, 0)

    def zero_blk(z, carry):
        zoff = pl.multiple_of(off + z * _B, 8)
        pltpu.sync_copy(rows0, acc.at[pl.ds(zoff, _B)])
        pltpu.sync_copy(rows0.at[pl.ds(0, _B), pl.ds(0, _DG)],
                        dacc.at[pl.ds(zoff, _B)])
        return carry

    lax.fori_loop(0, 4, zero_blk, 0)
    tail = pl.multiple_of(off + 4 * _B, 8)
    pltpu.sync_copy(rows0.at[pl.ds(0, _RPT - 4 * _B)],
                    acc.at[pl.ds(tail, _RPT - 4 * _B)])
    pltpu.sync_copy(rows0.at[pl.ds(0, _RPT - 4 * _B), pl.ds(0, _DG)],
                    dacc.at[pl.ds(tail, _RPT - 4 * _B)])
    plsc.subcore_barrier()

    pltpu.async_copy(eidx.at[wid, 0], idxb.at[pl.ds(0, 6)], isem).wait()
    pltpu.async_copy(xp.at[idxb.at[0]], rows0, gsem0)
    pltpu.async_copy(xp.at[idxb.at[1]], rows1, gsem1)
    pltpu.async_copy(eidx.at[wid, 1], idxb.at[pl.ds(6, 6)], isem)

    def body(i, carry):
        p = lax.rem(i, 2)
        b0 = 6 * p
        bn = 6 * (1 - p)
        pltpu.make_async_copy(xp.at[idxb.at[b0]], rows0, gsem0).wait()
        pltpu.async_copy(rows0, acc.at[idxb.at[b0 + 2]], ssem0, add=True)
        pltpu.async_copy(ones_v, dacc.at[idxb.at[b0 + 4]], dsem, add=True)
        pltpu.make_async_copy(xp.at[idxb.at[b0 + 1]], rows1, gsem1).wait()
        pltpu.async_copy(rows1, acc.at[idxb.at[b0 + 3]], ssem1, add=True)
        pltpu.async_copy(ones_v, dacc.at[idxb.at[b0 + 5]], dsem, add=True)

        pltpu.make_async_copy(rows0, acc.at[idxb.at[b0 + 2]], ssem0).wait()

        @pl.when(i < _NPAIR - 1)
        def _():
            pltpu.make_async_copy(
                eidx.at[wid, i + 1], idxb.at[pl.ds(bn, 6)], isem).wait()
            pltpu.async_copy(xp.at[idxb.at[bn]], rows0, gsem0)

        pltpu.make_async_copy(rows1, acc.at[idxb.at[b0 + 3]], ssem1).wait()

        @pl.when(i < _NPAIR - 1)
        def _():
            pltpu.async_copy(xp.at[idxb.at[bn + 1]], rows1, gsem1)

        pltpu.make_async_copy(ones_v, dacc.at[idxb.at[b0 + 4]], dsem).wait()
        pltpu.make_async_copy(ones_v, dacc.at[idxb.at[b0 + 5]], dsem).wait()

        @pl.when(i < _NPAIR - 2)
        def _():
            pltpu.async_copy(eidx.at[wid, i + 2], idxb.at[pl.ds(b0, 6)], isem)

        return carry

    lax.fori_loop(0, _NPAIR, body, 0)
    plsc.subcore_barrier()
    pltpu.sync_copy(acc.at[pl.ds(off, _RPT)], out_f.at[c, pl.ds(off, _RPT)])
    pltpu.sync_copy(dacc.at[pl.ds(off, _RPT)], out_d.at[c, pl.ds(off, _RPT)])


_RB = 1000


def _tc_body(x_ref, pf_ref, pd_ref, ws_ref, wn_ref, bias_ref, o_ref):
    p = pf_ref[0] + pf_ref[1]
    deg = jnp.sum(pd_ref[0] + pd_ref[1], axis=1, keepdims=True)
    h = p * (1.0 / jnp.maximum(deg, 1.0))
    o_ref[...] = (
        jnp.dot(x_ref[...], ws_ref[...], preferred_element_type=jnp.float32)
        + jnp.dot(h, wn_ref[...], preferred_element_type=jnp.float32)
        + bias_ref[...]
    )


_tc_dense = pl.pallas_call(
    _tc_body,
    grid=(_N // _RB,),
    in_specs=[
        pl.BlockSpec((_RB, _D), lambda i: (i, 0)),
        pl.BlockSpec((_NC, _RB, _D), lambda i: (0, i, 0)),
        pl.BlockSpec((_NC, _RB, _DG), lambda i: (0, i, 0)),
        pl.BlockSpec((_D, _D), lambda i: (0, 0)),
        pl.BlockSpec((_D, _D), lambda i: (0, 0)),
        pl.BlockSpec((1, _D), lambda i: (0, 0)),
    ],
    out_specs=pl.BlockSpec((_RB, _D), lambda i: (i, 0)),
    out_shape=jax.ShapeDtypeStruct((_N, _D), jnp.float32),
)


def kernel(x, edge_index, W_self, b_self, W_neigh, b_neigh):
    ei = edge_index.astype(jnp.int32)
    npad = _EP - _E
    j = jnp.arange(npad, dtype=jnp.int32)
    pad_src = _N + j % (_NP - _N)
    pad_dst = (j * 89) % _N
    pad_deg = _N + j % (_NP - _N)
    src = jnp.concatenate([ei[0], pad_src]).reshape(_NW, _NPAIR, 2, _B)
    dst = jnp.concatenate([ei[1], pad_dst]).reshape(_NW, _NPAIR, 2, _B)
    dd = jnp.concatenate([ei[1], pad_deg]).reshape(_NW, _NPAIR, 2, _B)
    eidx = jnp.concatenate([src, dst, dd], axis=2)
    xp = jnp.concatenate([x, jnp.zeros((_NP - _N, _D), jnp.float32)], axis=0)
    pf, pd = _sc_aggregate(xp, eidx)
    bias = (b_self + b_neigh)[None, :]
    return _tc_dense(x, pf, pd, W_self.T, W_neigh.T, bias)

# --- scband reference (transcript-rebuilt; emitter-appended) ---
"""Pipeline reference for scband-sageconv-43671227466484 (READ-ONLY COPY).

The authoritative reference and input builder live on the scoring server;
editing this copy changes nothing except your own understanding.
"""

import jax, jax.numpy as jnp
import numpy as np

N_NODES = 10000
N_EDGES = 320000
D_IN = 128
D_OUT = 128

def setup_inputs(seed: int = 0) -> dict:
    key = jax.random.key(seed)
    k1, k2, k3, k4, k5, k6 = jax.random.split(key, 6)
    x = jax.random.normal(k1, (N_NODES, D_IN), dtype=jnp.float32)
    edge_index = jax.random.randint(k2, (2, N_EDGES), 0, N_NODES, dtype=jnp.int64)
    # Xavier-uniform style init for linear layers (matches nn.Linear reset)
    lim = 1.0 / np.sqrt(D_IN)
    W_self = jax.random.uniform(k3, (D_OUT, D_IN), dtype=jnp.float32, minval=-lim, maxval=lim)
    b_self = jax.random.uniform(k4, (D_OUT,), dtype=jnp.float32, minval=-lim, maxval=lim)
    W_neigh = jax.random.uniform(k5, (D_OUT, D_IN), dtype=jnp.float32, minval=-lim, maxval=lim)
    b_neigh = jax.random.uniform(k6, (D_OUT,), dtype=jnp.float32, minval=-lim, maxval=lim)
    return {"x": x, "edge_index": edge_index, "W_self": W_self, "b_self": b_self, "W_neigh": W_neigh, "b_neigh": b_neigh}

def reference(x, edge_index, W_self, b_self, W_neigh, b_neigh):
    # SAGEConv with aggregator_type='mean':
    #   h_neigh[v] = mean_{u in N(v)} x[u]   (zeros if no neighbors)
    #   out = fc_self(x) + fc_neigh(h_neigh)
    src = edge_index[0]
    dst = edge_index[1]
    msgs = jnp.take(x, src, axis=0)                         # gather  [E, D_IN]
    summed = jax.ops.segment_sum(msgs, dst, num_segments=x.shape[0])  # scatter-add
    deg = jax.ops.segment_sum(jnp.ones((msgs.shape[0],), dtype=x.dtype), dst, num_segments=x.shape[0])
    h_neigh = summed / jnp.clip(deg, 1.0, None)[:, None]
    out = x @ W_self.T + b_self + h_neigh @ W_neigh.T + b_neigh
    return out

if __name__ == "__main__":
    import jax
    _d = setup_inputs()
    print(jax.jit(kernel)(*tuple(_d.values())))

</pallas_src>

<mosaic_0001>
#map = affine_map<(d0, d1) -> (0, 0)>
#map1 = affine_map<(d0, d1) -> (0, 0, 0, 0)>
#map2 = affine_map<(d0, d1) -> (0, 0, 0)>
module attributes {stable_mosaic.version = 14 : i64} {
  func.func @_sc_aggregate(%arg0: i32, %arg1: i32, %arg2: memref<10112x128xf32, #tpu.memory_space<hbm>>, %arg3: memref<32x40x6x128xi32, #tpu.memory_space<hbm>>, %arg4: memref<2x10112x128xf32, #tpu.memory_space<hbm>>, %arg5: memref<2x10112x16xf32, #tpu.memory_space<hbm>>, %arg6: memref<10112x128xf32, #tpu.memory_space<vmem_shared>>, %arg7: memref<10112x16xf32, #tpu.memory_space<vmem_shared>>, %arg8: memref<12x128xi32, #tpu.memory_space<vmem>>, %arg9: memref<128x128xf32, #tpu.memory_space<vmem>>, %arg10: memref<128x128xf32, #tpu.memory_space<vmem>>, %arg11: memref<128x16xf32, #tpu.memory_space<vmem>>, %arg12: memref<!tpu.dma_semaphore, #tpu.memory_space<semaphore_mem>>, %arg13: memref<!tpu.dma_semaphore, #tpu.memory_space<semaphore_mem>>, %arg14: memref<!tpu.dma_semaphore, #tpu.memory_space<semaphore_mem>>, %arg15: memref<!tpu.dma_semaphore, #tpu.memory_space<semaphore_mem>>, %arg16: memref<!tpu.dma_semaphore, #tpu.memory_space<semaphore_mem>>, %arg17: memref<!tpu.dma_semaphore, #tpu.memory_space<semaphore_mem>>) attributes {dimension_semantics = [#tpu.dimension_semantics<core_parallel>, #tpu.dimension_semantics<subcore_parallel>], iteration_bounds = array<i64: 2, 16>, scalar_prefetch = 0 : i64, scratch_operands = 12 : i64, tpu.core_type = #tpu.core_type<sc_vector_subcore>, window_params = [{transform_indices = #map}, {transform_indices = #map1}, {transform_indices = #map2}, {transform_indices = #map2}]} {
    %mul3A = arith.constant 2 : i32
    %mul3A_0 = arith.muli %arg1, %mul3A : i32
    %add3A = arith.addi %mul3A_0, %arg0 : i32
    %mul3A_1 = arith.constant 632 : i32
    %mul3A_2 = arith.muli %arg1, %mul3A_1 : i32
    %multiple_of3A = tpu.assume_multiple %mul3A_2, 8 : i32
    %broadcast_in_dim3A = arith.constant 0.000000e+00 : f32
    %broadcast_in_dim3A_3 = vector.broadcast %broadcast_in_dim3A : f32 to vector<16xf32>
    %scan3A = arith.constant 0 : i32
    %scan3A_4 = arith.constant 0 : i32
    %scan3A_5 = arith.constant 128 : i32
    %scan3A_6 = arith.addi %scan3A_4, %scan3A_5 : i32
    %scan3A_7 = arith.constant 1 : i32
    scf.for %scan3A_82 = %scan3A_4 to %scan3A_6 step %scan3A_7  : i32 {
      %swap3A = arith.index_cast %scan3A_82 : i32 to index
      %swap3A_83 = arith.constant 0 : index
      %swap3A_84 = tpu.vector_load %arg9[%swap3A, %swap3A_83] {strides = array<i32>} : memref<128x128xf32, #tpu.memory_space<vmem>>, vector<1x16xf32>,
      %swap3A_85 = vector.shape_cast %swap3A_84 : vector<1x16xf32> to vector<16xf32>
      %swap3A_86 = vector.shape_cast %broadcast_in_dim3A_3 : vector<16xf32> to vector<1x16xf32>
      tpu.vector_store %arg9[%swap3A, %swap3A_83], %swap3A_86 {strides = array<i32>} : memref<128x128xf32, #tpu.memory_space<vmem>>, vector<1x16xf32>,
      %swap3A_87 = arith.index_cast %scan3A_82 : i32 to index
      %swap3A_88 = arith.constant 16 : index
      %swap3A_89 = tpu.vector_load %arg9[%swap3A_87, %swap3A_88] {strides = array<i32>} : memref<128x128xf32, #tpu.memory_space<vmem>>, vector<1x16xf32>,
      %swap3A_90 = vector.shape_cast %swap3A_89 : vector<1x16xf32> to vector<16xf32>
      %swap3A_91 = vector.shape_cast %broadcast_in_dim3A_3 : vector<16xf32> to vector<1x16xf32>
      tpu.vector_store %arg9[%swap3A_87, %swap3A_88], %swap3A_91 {strides = array<i32>} : memref<128x128xf32, #tpu.memory_space<vmem>>, vector<1x16xf32>,
      %swap3A_92 = arith.index_cast %scan3A_82 : i32 to index
      %swap3A_93 = arith.constant 32 : index
      %swap3A_94 = tpu.vector_load %arg9[%swap3A_92, %swap3A_93] {strides = array<i32>} : memref<128x128xf32, #tpu.memory_space<vmem>>, vector<1x16xf32>,
      %swap3A_95 = vector.shape_cast %swap3A_94 : vector<1x16xf32> to vector<16xf32>
      %swap3A_96 = vector.shape_cast %broadcast_in_dim3A_3 : vector<16xf32> to vector<1x16xf32>
      tpu.vector_store %arg9[%swap3A_92, %swap3A_93], %swap3A_96 {strides = array<i32>} : memref<128x128xf32, #tpu.memory_space<vmem>>, vector<1x16xf32>,
      %swap3A_97 = arith.index_cast %scan3A_82 : i32 to index
      %swap3A_98 = arith.constant 48 : index
      %swap3A_99 = tpu.vector_load %arg9[%swap3A_97, %swap3A_98] {strides = array<i32>} : memref<128x128xf32, #tpu.memory_space<vmem>>, vector<1x16xf32>,
      %swap3A_100 = vector.shape_cast %swap3A_99 : vector<1x16xf32> to vector<16xf32>
      %swap3A_101 = vector.shape_cast %broadcast_in_dim3A_3 : vector<16xf32> to vector<1x16xf32>
      tpu.vector_store %arg9[%swap3A_97, %swap3A_98], %swap3A_101 {strides = array<i32>} : memref<128x128xf32, #tpu.memory_space<vmem>>, vector<1x16xf32>,
      %swap3A_102 = arith.index_cast %scan3A_82 : i32 to index
      %swap3A_103 = arith.constant 64 : index
      %swap3A_104 = tpu.vector_load %arg9[%swap3A_102, %swap3A_103] {strides = array<i32>} : memref<128x128xf32, #tpu.memory_space<vmem>>, vector<1x16xf32>,
      %swap3A_105 = vector.shape_cast %swap3A_104 : vector<1x16xf32> to vector<16xf32>
      %swap3A_106 = vector.shape_cast %broadcast_in_dim3A_3 : vector<16xf32> to vector<1x16xf32>
      tpu.vector_store %arg9[%swap3A_102, %swap3A_103], %swap3A_106 {strides = array<i32>} : memref<128x128xf32, #tpu.memory_space<vmem>>, vector<1x16xf32>,
      %swap3A_107 = arith.index_cast %scan3A_82 : i32 to index
      %swap3A_108 = arith.constant 80 : index
      %swap3A_109 = tpu.vector_load %arg9[%swap3A_107, %swap3A_108] {strides = array<i32>} : memref<128x128xf32, #tpu.memory_space<vmem>>, vector<1x16xf32>,
      %swap3A_110 = vector.shape_cast %swap3A_109 : vector<1x16xf32> to vector<16xf32>
      %swap3A_111 = vector.shape_cast %broadcast_in_dim3A_3 : vector<16xf32> to vector<1x16xf32>
      tpu.vector_store %arg9[%swap3A_107, %swap3A_108], %swap3A_111 {strides = array<i32>} : memref<128x128xf32, #tpu.memory_space<vmem>>, vector<1x16xf32>,
      %swap3A_112 = arith.index_cast %scan3A_82 : i32 to index
      %swap3A_113 = arith.constant 96 : index
      %swap3A_114 = tpu.vector_load %arg9[%swap3A_112, %swap3A_113] {strides = array<i32>} : memref<128x128xf32, #tpu.memory_space<vmem>>, vector<1x16xf32>,
      %swap3A_115 = vector.shape_cast %swap3A_114 : vector<1x16xf32> to vector<16xf32>
      %swap3A_116 = vector.shape_cast %broadcast_in_dim3A_3 : vector<16xf32> to vector<1x16xf32>
      tpu.vector_store %arg9[%swap3A_112, %swap3A_113], %swap3A_116 {strides = array<i32>} : memref<128x128xf32, #tpu.memory_space<vmem>>, vector<1x16xf32>,
      %swap3A_117 = arith.index_cast %scan3A_82 : i32 to index
      %swap3A_118 = arith.constant 112 : index
      %swap3A_119 = tpu.vector_load %arg9[%swap3A_117, %swap3A_118] {strides = array<i32>} : memref<128x128xf32, #tpu.memory_space<vmem>>, vector<1x16xf32>,
      %swap3A_120 = vector.shape_cast %swap3A_119 : vector<1x16xf32> to vector<16xf32>
      %swap3A_121 = vector.shape_cast %broadcast_in_dim3A_3 : vector<16xf32> to vector<1x16xf32>
      tpu.vector_store %arg9[%swap3A_117, %swap3A_118], %swap3A_121 {strides = array<i32>} : memref<128x128xf32, #tpu.memory_space<vmem>>, vector<1x16xf32>,
      %broadcast_in_dim3A_122 = arith.constant 6.250000e-02 : f32
      %broadcast_in_dim3A_123 = vector.broadcast %broadcast_in_dim3A_122 : f32 to vector<16xf32>
      %swap3A_124 = arith.index_cast %scan3A_82 : i32 to index
      %swap3A_125 = arith.constant 0 : index
      %swap3A_126 = tpu.vector_load %arg11[%swap3A_124, %swap3A_125] {strides = array<i32>} : memref<128x16xf32, #tpu.memory_space<vmem>>, vector<1x16xf32>,
      %swap3A_127 = vector.shape_cast %swap3A_126 : vector<1x16xf32> to vector<16xf32>
      %swap3A_128 = vector.shape_cast %broadcast_in_dim3A_123 : vector<16xf32> to vector<1x16xf32>
      tpu.vector_store %arg11[%swap3A_124, %swap3A_125], %swap3A_128 {strides = array<i32>} : memref<128x16xf32, #tpu.memory_space<vmem>>, vector<1x16xf32>,
    }
    %scan3A_8 = arith.constant 128 : i32
    %scan3A_9 = arith.constant 0 : i32
    %scan3A_10 = arith.constant 0 : i32
    %scan3A_11 = arith.constant 4 : i32
    %scan3A_12 = arith.addi %scan3A_10, %scan3A_11 : i32
    %scan3A_13 = arith.constant 1 : i32
    scf.for %scan3A_82 = %scan3A_10 to %scan3A_12 step %scan3A_13  : i32 {
      %mul3A_83 = arith.constant 128 : i32
      %mul3A_84 = arith.muli %scan3A_82, %mul3A_83 : i32
      %add3A_85 = arith.addi %multiple_of3A, %mul3A_84 : i32
      %multiple_of3A_86 = tpu.assume_multiple %add3A_85, 8 : i32
      "tpu.region"() ({
        %run_scoped3A = tpu.sem_alloc : memref<!tpu.dma_semaphore, #tpu.memory_space<semaphore_mem>>
        %dma_start3A_87 = arith.constant 0 : i32
        %dma_start3A_88 = tpu.memref_slice %arg6[%multiple_of3A_86, %dma_start3A_87] : memref<10112x128xf32, #tpu.memory_space<vmem_shared>> -> memref<128x128xf32, #tpu.memory_space<vmem_shared>>
        %dma_start3A_89 = arith.constant 0 : i32
        %dma_start3A_90 = tpu.memref_slice %arg6[%multiple_of3A_86, %dma_start3A_89] : memref<10112x128xf32, #tpu.memory_space<vmem_shared>> -> memref<128x128xf32, #tpu.memory_space<vmem_shared>>
        tpu.enqueue_dma source(%arg9 : memref<128x128xf32, #tpu.memory_space<vmem>>) target(%dma_start3A_90 : memref<128x128xf32, #tpu.memory_space<vmem_shared>>) target_semaphore(%run_scoped3A : memref<!tpu.dma_semaphore, #tpu.memory_space<semaphore_mem>>)
        %dma_wait3A_91 = arith.constant 0 : i32
        %dma_wait3A_92 = tpu.memref_slice %arg6[%multiple_of3A_86, %dma_wait3A_91] : memref<10112x128xf32, #tpu.memory_space<vmem_shared>> -> memref<128x128xf32, #tpu.memory_space<vmem_shared>>
        %dma_wait3A_93 = arith.constant 0 : i32
        %dma_wait3A_94 = tpu.memref_slice %arg6[%multiple_of3A_86, %dma_wait3A_93] : memref<10112x128xf32, #tpu.memory_space<vmem_shared>> -> memref<128x128xf32, #tpu.memory_space<vmem_shared>>
        tpu.wait_dma2 semaphore(%run_scoped3A : memref<!tpu.dma_semaphore, #tpu.memory_space<semaphore_mem>>) src(%arg9 : memref<128x128xf32, #tpu.memory_space<vmem>>) dst(%dma_wait3A_94 : memref<128x128xf32, #tpu.memory_space<vmem_shared>>)
        tpu.yield
      }) : () -> ()
      "tpu.region"() ({
        %run_scoped3A = tpu.sem_alloc : memref<!tpu.dma_semaphore, #tpu.memory_space<semaphore_mem>>
        %dma_start3A_87 = arith.constant 0 : i32
        %dma_start3A_88 = arith.constant 0 : i32
        %dma_start3A_89 = tpu.memref_slice %arg9[%dma_start3A_87, %dma_start3A_88] : memref<128x128xf32, #tpu.memory_space<vmem>> -> memref<128x16xf32, #tpu.memory_space<vmem>>
        %dma_start3A_90 = arith.constant 0 : i32
        %dma_start3A_91 = tpu.memref_slice %arg7[%multiple_of3A_86, %dma_start3A_90] : memref<10112x16xf32, #tpu.memory_space<vmem_shared>> -> memref<128x16xf32, #tpu.memory_space<vmem_shared>>
        %dma_start3A_92 = arith.constant 0 : i32
        %dma_start3A_93 = tpu.memref_slice %arg7[%multiple_of3A_86, %dma_start3A_92] : memref<10112x16xf32, #tpu.memory_space<vmem_shared>> -> memref<128x16xf32, #tpu.memory_space<vmem_shared>>
        %dma_start3A_94 = arith.constant 0 : i32
        %dma_start3A_95 = arith.constant 0 : i32
        %dma_start3A_96 = tpu.memref_slice %arg9[%dma_start3A_94, %dma_start3A_95] : memref<128x128xf32, #tpu.memory_space<vmem>> -> memref<128x16xf32, #tpu.memory_space<vmem>>
        tpu.enqueue_dma source(%dma_start3A_96 : memref<128x16xf32, #tpu.memory_space<vmem>>) target(%dma_start3A_93 : memref<128x16xf32, #tpu.memory_space<vmem_shared>>) target_semaphore(%run_scoped3A : memref<!tpu.dma_semaphore, #tpu.memory_space<semaphore_mem>>)
        %dma_wait3A_97 = arith.constant 0 : i32
        %dma_wait3A_98 = arith.constant 0 : i32
        %dma_wait3A_99 = tpu.memref_slice %arg9[%dma_wait3A_97, %dma_wait3A_98] : memref<128x128xf32, #tpu.memory_space<vmem>> -> memref<128x16xf32, #tpu.memory_space<vmem>>
        %dma_wait3A_100 = arith.constant 0 : i32
        %dma_wait3A_101 = tpu.memref_slice %arg7[%multiple_of3A_86, %dma_wait3A_100] : memref<10112x16xf32, #tpu.memory_space<vmem_shared>> -> memref<128x16xf32, #tpu.memory_space<vmem_shared>>
        %dma_wait3A_102 = arith.constant 0 : i32
        %dma_wait3A_103 = tpu.memref_slice %arg7[%multiple_of3A_86, %dma_wait3A_102] : memref<10112x16xf32, #tpu.memory_space<vmem_shared>> -> memref<128x16xf32, #tpu.memory_space<vmem_shared>>
        %dma_wait3A_104 = arith.constant 0 : i32
        %dma_wait3A_105 = arith.constant 0 : i32
        %dma_wait3A_106 = tpu.memref_slice %arg9[%dma_wait3A_104, %dma_wait3A_105] : memref<128x128xf32, #tpu.memory_space<vmem>> -> memref<128x16xf32, #tpu.memory_space<vmem>>
        tpu.wait_dma2 semaphore(%run_scoped3A : memref<!tpu.dma_semaphore, #tpu.memory_space<semaphore_mem>>) src(%dma_wait3A_106 : memref<128x16xf32, #tpu.memory_space<vmem>>) dst(%dma_wait3A_103 : memref<128x16xf32, #tpu.memory_space<vmem_shared>>)
        tpu.yield
      }) : () -> ()
    }
    %scan3A_14 = arith.constant 4 : i32
    %add3A_15 = arith.constant 512 : i32
    %add3A_16 = arith.addi %multiple_of3A, %add3A_15 : i32
    %multiple_of3A_17 = tpu.assume_multiple %add3A_16, 8 : i32
    "tpu.region"() ({
      %run_scoped3A = tpu.sem_alloc : memref<!tpu.dma_semaphore, #tpu.memory_space<semaphore_mem>>
      %dma_start3A_82 = arith.constant 0 : i32
      %dma_start3A_83 = arith.constant 0 : i32
      %dma_start3A_84 = tpu.memref_slice %arg9[%dma_start3A_82, %dma_start3A_83] : memref<128x128xf32, #tpu.memory_space<vmem>> -> memref<120x128xf32, #tpu.memory_space<vmem>>
      %dma_start3A_85 = arith.constant 0 : i32
      %dma_start3A_86 = tpu.memref_slice %arg6[%multiple_of3A_17, %dma_start3A_85] : memref<10112x128xf32, #tpu.memory_space<vmem_shared>> -> memref<120x128xf32, #tpu.memory_space<vmem_shared>>
      %dma_start3A_87 = arith.constant 0 : i32
      %dma_start3A_88 = tpu.memref_slice %arg6[%multiple_of3A_17, %dma_start3A_87] : memref<10112x128xf32, #tpu.memory_space<vmem_shared>> -> memref<120x128xf32, #tpu.memory_space<vmem_shared>>
      %dma_start3A_89 = arith.constant 0 : i32
      %dma_start3A_90 = arith.constant 0 : i32
      %dma_start3A_91 = tpu.memref_slice %arg9[%dma_start3A_89, %dma_start3A_90] : memref<128x128xf32, #tpu.memory_space<vmem>> -> memref<120x128xf32, #tpu.memory_space<vmem>>
      tpu.enqueue_dma source(%dma_start3A_91 : memref<120x128xf32, #tpu.memory_space<vmem>>) target(%dma_start3A_88 : memref<120x128xf32, #tpu.memory_space<vmem_shared>>) target_semaphore(%run_scoped3A : memref<!tpu.dma_semaphore, #tpu.memory_space<semaphore_mem>>)
      %dma_wait3A_92 = arith.constant 0 : i32
      %dma_wait3A_93 = arith.constant 0 : i32
      %dma_wait3A_94 = tpu.memref_slice %arg9[%dma_wait3A_92, %dma_wait3A_93] : memref<128x128xf32, #tpu.memory_space<vmem>> -> memref<120x128xf32, #tpu.memory_space<vmem>>
      %dma_wait3A_95 = arith.constant 0 : i32
      %dma_wait3A_96 = tpu.memref_slice %arg6[%multiple_of3A_17, %dma_wait3A_95] : memref<10112x128xf32, #tpu.memory_space<vmem_shared>> -> memref<120x128xf32, #tpu.memory_space<vmem_shared>>
      %dma_wait3A_97 = arith.constant 0 : i32
      %dma_wait3A_98 = tpu.memref_slice %arg6[%multiple_of3A_17, %dma_wait3A_97] : memref<10112x128xf32, #tpu.memory_space<vmem_shared>> -> memref<120x128xf32, #tpu.memory_space<vmem_shared>>
      %dma_wait3A_99 = arith.constant 0 : i32
      %dma_wait3A_100 = arith.constant 0 : i32
      %dma_wait3A_101 = tpu.memref_slice %arg9[%dma_wait3A_99, %dma_wait3A_100] : memref<128x128xf32, #tpu.memory_space<vmem>> -> memref<120x128xf32, #tpu.memory_space<vmem>>
      tpu.wait_dma2 semaphore(%run_scoped3A : memref<!tpu.dma_semaphore, #tpu.memory_space<semaphore_mem>>) src(%dma_wait3A_101 : memref<120x128xf32, #tpu.memory_space<vmem>>) dst(%dma_wait3A_98 : memref<120x128xf32, #tpu.memory_space<vmem_shared>>)
      tpu.yield
    }) : () -> ()
    "tpu.region"() ({
      %run_scoped3A = tpu.sem_alloc : memref<!tpu.dma_semaphore, #tpu.memory_space<semaphore_mem>>
      %dma_start3A_82 = arith.constant 0 : i32
      %dma_start3A_83 = arith.constant 0 : i32
      %dma_start3A_84 = tpu.memref_slice %arg9[%dma_start3A_82, %dma_start3A_83] : memref<128x128xf32, #tpu.memory_space<vmem>> -> memref<120x16xf32, #tpu.memory_space<vmem>>
      %dma_start3A_85 = arith.constant 0 : i32
      %dma_start3A_86 = tpu.memref_slice %arg7[%multiple_of3A_17, %dma_start3A_85] : memref<10112x16xf32, #tpu.memory_space<vmem_shared>> -> memref<120x16xf32, #tpu.memory_space<vmem_shared>>
      %dma_start3A_87 = arith.constant 0 : i32
      %dma_start3A_88 = tpu.memref_slice %arg7[%multiple_of3A_17, %dma_start3A_87] : memref<10112x16xf32, #tpu.memory_space<vmem_shared>> -> memref<120x16xf32, #tpu.memory_space<vmem_shared>>
      %dma_start3A_89 = arith.constant 0 : i32
      %dma_start3A_90 = arith.constant 0 : i32
      %dma_start3A_91 = tpu.memref_slice %arg9[%dma_start3A_89, %dma_start3A_90] : memref<128x128xf32, #tpu.memory_space<vmem>> -> memref<120x16xf32, #tpu.memory_space<vmem>>
      tpu.enqueue_dma source(%dma_start3A_91 : memref<120x16xf32, #tpu.memory_space<vmem>>) target(%dma_start3A_88 : memref<120x16xf32, #tpu.memory_space<vmem_shared>>) target_semaphore(%run_scoped3A : memref<!tpu.dma_semaphore, #tpu.memory_space<semaphore_mem>>)
      %dma_wait3A_92 = arith.constant 0 : i32
      %dma_wait3A_93 = arith.constant 0 : i32
      %dma_wait3A_94 = tpu.memref_slice %arg9[%dma_wait3A_92, %dma_wait3A_93] : memref<128x128xf32, #tpu.memory_space<vmem>> -> memref<120x16xf32, #tpu.memory_space<vmem>>
      %dma_wait3A_95 = arith.constant 0 : i32
      %dma_wait3A_96 = tpu.memref_slice %arg7[%multiple_of3A_17, %dma_wait3A_95] : memref<10112x16xf32, #tpu.memory_space<vmem_shared>> -> memref<120x16xf32, #tpu.memory_space<vmem_shared>>
      %dma_wait3A_97 = arith.constant 0 : i32
      %dma_wait3A_98 = tpu.memref_slice %arg7[%multiple_of3A_17, %dma_wait3A_97] : memref<10112x16xf32, #tpu.memory_space<vmem_shared>> -> memref<120x16xf32, #tpu.memory_space<vmem_shared>>
      %dma_wait3A_99 = arith.constant 0 : i32
      %dma_wait3A_100 = arith.constant 0 : i32
      %dma_wait3A_101 = tpu.memref_slice %arg9[%dma_wait3A_99, %dma_wait3A_100] : memref<128x128xf32, #tpu.memory_space<vmem>> -> memref<120x16xf32, #tpu.memory_space<vmem>>
      tpu.wait_dma2 semaphore(%run_scoped3A : memref<!tpu.dma_semaphore, #tpu.memory_space<semaphore_mem>>) src(%dma_wait3A_101 : memref<120x16xf32, #tpu.memory_space<vmem>>) dst(%dma_wait3A_98 : memref<120x16xf32, #tpu.memory_space<vmem_shared>>)
      tpu.yield
    }) : () -> ()
    %barrier3A = arith.constant 0 : index
    tpu.barrier barrier_id(%barrier3A)
    %dma_start3A = arith.constant 0 : i32
    %dma_start3A_18 = arith.constant 0 : i32
    %dma_start3A_19 = arith.constant 0 : i32
    %dma_start3A_20 = tpu.memref_slice %arg8[%dma_start3A_18, %dma_start3A_19] : memref<12x128xi32, #tpu.memory_space<vmem>> -> memref<6x128xi32, #tpu.memory_space<vmem>>
    %dma_start3A_21 = arith.constant 0 : i32
    %dma_start3A_22 = arith.constant 0 : i32
    %dma_start3A_23 = tpu.memref_slice %arg3[%add3A, %dma_start3A, %dma_start3A_21, %dma_start3A_22] : memref<32x40x6x128xi32, #tpu.memory_space<hbm>> -> memref<1x1x6x128xi32, #tpu.memory_space<hbm>>
    %dma_start3A_24 = tpu.memref_squeeze %dma_start3A_23 : memref<1x1x6x128xi32, #tpu.memory_space<hbm>> -> memref<6x128xi32, #tpu.memory_space<hbm>>
    %dma_start3A_25 = arith.constant 0 : i32
    %dma_start3A_26 = arith.constant 0 : i32
    %dma_start3A_27 = tpu.memref_slice %arg8[%dma_start3A_25, %dma_start3A_26] : memref<12x128xi32, #tpu.memory_space<vmem>> -> memref<6x128xi32, #tpu.memory_space<vmem>>
    %dma_start3A_28 = arith.constant 0 : i32
    %dma_start3A_29 = arith.constant 0 : i32
    %dma_start3A_30 = tpu.memref_slice %arg3[%add3A, %dma_start3A, %dma_start3A_28, %dma_start3A_29] : memref<32x40x6x128xi32, #tpu.memory_space<hbm>> -> memref<1x1x6x128xi32, #tpu.memory_space<hbm>>
    %dma_start3A_31 = tpu.memref_squeeze %dma_start3A_30 : memref<1x1x6x128xi32, #tpu.memory_space<hbm>> -> memref<6x128xi32, #tpu.memory_space<hbm>>
    tpu.enqueue_dma source(%dma_start3A_31 : memref<6x128xi32, #tpu.memory_space<hbm>>) target(%dma_start3A_27 : memref<6x128xi32, #tpu.memory_space<vmem>>) target_semaphore(%arg17 : memref<!tpu.dma_semaphore, #tpu.memory_space<semaphore_mem>>)
    %dma_wait3A = arith.constant 0 : i32
    %dma_wait3A_32 = arith.constant 0 : i32
    %dma_wait3A_33 = arith.constant 0 : i32
    %dma_wait3A_34 = tpu.memref_slice %arg8[%dma_wait3A_32, %dma_wait3A_33] : memref<12x128xi32, #tpu.memory_space<vmem>> -> memref<6x128xi32, #tpu.memory_space<vmem>>
    %dma_wait3A_35 = arith.constant 0 : i32
    %dma_wait3A_36 = arith.constant 0 : i32
    %dma_wait3A_37 = tpu.memref_slice %arg3[%add3A, %dma_wait3A, %dma_wait3A_35, %dma_wait3A_36] : memref<32x40x6x128xi32, #tpu.memory_space<hbm>> -> memref<1x1x6x128xi32, #tpu.memory_space<hbm>>
    %dma_wait3A_38 = tpu.memref_squeeze %dma_wait3A_37 : memref<1x1x6x128xi32, #tpu.memory_space<hbm>> -> memref<6x128xi32, #tpu.memory_space<hbm>>
    %dma_wait3A_39 = arith.constant 0 : i32
    %dma_wait3A_40 = arith.constant 0 : i32
    %dma_wait3A_41 = tpu.memref_slice %arg8[%dma_wait3A_39, %dma_wait3A_40] : memref<12x128xi32, #tpu.memory_space<vmem>> -> memref<6x128xi32, #tpu.memory_space<vmem>>
    %dma_wait3A_42 = arith.constant 0 : i32
    %dma_wait3A_43 = arith.constant 0 : i32
    %dma_wait3A_44 = tpu.memref_slice %arg3[%add3A, %dma_wait3A, %dma_wait3A_42, %dma_wait3A_43] : memref<32x40x6x128xi32, #tpu.memory_space<hbm>> -> memref<1x1x6x128xi32, #tpu.memory_space<hbm>>
    %dma_wait3A_45 = tpu.memref_squeeze %dma_wait3A_44 : memref<1x1x6x128xi32, #tpu.memory_space<hbm>> -> memref<6x128xi32, #tpu.memory_space<hbm>>
    tpu.wait_dma2 semaphore(%arg17 : memref<!tpu.dma_semaphore, #tpu.memory_space<semaphore_mem>>) src(%dma_wait3A_45 : memref<6x128xi32, #tpu.memory_space<hbm>>) dst(%dma_wait3A_41 : memref<6x128xi32, #tpu.memory_space<vmem>>)
    %dma_start3A_46 = arith.constant 0 : i32
    %dma_start3A_47 = arith.constant 0 : i32
    %dma_start3A_48 = tpu.memref_slice %arg8[%dma_start3A_46, %dma_start3A_47] : memref<12x128xi32, #tpu.memory_space<vmem>> -> memref<1x128xi32, #tpu.memory_space<vmem>>
    %dma_start3A_49 = tpu.memref_squeeze %dma_start3A_48 : memref<1x128xi32, #tpu.memory_space<vmem>> -> memref<128xi32, #tpu.memory_space<vmem>>
    %dma_start3A_50 = arith.constant 0 : i32
    %dma_start3A_51 = arith.constant 0 : i32
    %dma_start3A_52 = tpu.memref_slice %arg2[%dma_start3A_50, %dma_start3A_51] : memref<10112x128xf32, #tpu.memory_space<hbm>> -> memref<10112x128xf32, #tpu.memory_space<hbm>>
    tpu.enqueue_indirect_dma source(%dma_start3A_52 : memref<10112x128xf32, #tpu.memory_space<hbm>>) target(%arg9 : memref<128x128xf32, #tpu.memory_space<vmem>>) offsets(%dma_start3A_49 : memref<128xi32, #tpu.memory_space<vmem>>) semaphore(%arg12 : memref<!tpu.dma_semaphore, #tpu.memory_space<semaphore_mem>>)
    %dma_start3A_53 = arith.constant 1 : i32
    %dma_start3A_54 = arith.constant 0 : i32
    %dma_start3A_55 = tpu.memref_slice %arg8[%dma_start3A_53, %dma_start3A_54] : memref<12x128xi32, #tpu.memory_space<vmem>> -> memref<1x128xi32, #tpu.memory_space<vmem>>
    %dma_start3A_56 = tpu.memref_squeeze %dma_start3A_55 : memref<1x128xi32, #tpu.memory_space<vmem>> -> memref<128xi32, #tpu.memory_space<vmem>>
    %dma_start3A_57 = arith.constant 0 : i32
    %dma_start3A_58 = arith.constant 0 : i32
    %dma_start3A_59 = tpu.memref_slice %arg2[%dma_start3A_57, %dma_start3A_58] : memref<10112x128xf32, #tpu.memory_space<hbm>> -> memref<10112x128xf32, #tpu.memory_space<hbm>>
    tpu.enqueue_indirect_dma source(%dma_start3A_59 : memref<10112x128xf32, #tpu.memory_space<hbm>>) target(%arg10 : memref<128x128xf32, #tpu.memory_space<vmem>>) offsets(%dma_start3A_56 : memref<128xi32, #tpu.memory_space<vmem>>) semaphore(%arg13 : memref<!tpu.dma_semaphore, #tpu.memory_space<semaphore_mem>>)
    %dma_start3A_60 = arith.constant 1 : i32
    %dma_start3A_61 = arith.constant 6 : i32
    %dma_start3A_62 = arith.constant 0 : i32
    %dma_start3A_63 = tpu.memref_slice %arg8[%dma_start3A_61, %dma_start3A_62] : memref<12x128xi32, #tpu.memory_space<vmem>> -> memref<6x128xi32, #tpu.memory_space<vmem>>
    %dma_start3A_64 = arith.constant 0 : i32
    %dma_start3A_65 = arith.constant 0 : i32
    %dma_start3A_66 = tpu.memref_slice %arg3[%add3A, %dma_start3A_60, %dma_start3A_64, %dma_start3A_65] : memref<32x40x6x128xi32, #tpu.memory_space<hbm>> -> memref<1x1x6x128xi32, #tpu.memory_space<hbm>>
    %dma_start3A_67 = tpu.memref_squeeze %dma_start3A_66 : memref<1x1x6x128xi32, #tpu.memory_space<hbm>> -> memref<6x128xi32, #tpu.memory_space<hbm>>
    %dma_start3A_68 = arith.constant 6 : i32
    %dma_start3A_69 = arith.constant 0 : i32
    %dma_start3A_70 = tpu.memref_slice %arg8[%dma_start3A_68, %dma_start3A_69] : memref<12x128xi32, #tpu.memory_space<vmem>> -> memref<6x128xi32, #tpu.memory_space<vmem>>
    %dma_start3A_71 = arith.constant 0 : i32
    %dma_start3A_72 = arith.constant 0 : i32
    %dma_start3A_73 = tpu.memref_slice %arg3[%add3A, %dma_start3A_60, %dma_start3A_71, %dma_start3A_72] : memref<32x40x6x128xi32, #tpu.memory_space<hbm>> -> memref<1x1x6x128xi32, #tpu.memory_space<hbm>>
    %dma_start3A_74 = tpu.memref_squeeze %dma_start3A_73 : memref<1x1x6x128xi32, #tpu.memory_space<hbm>> -> memref<6x128xi32, #tpu.memory_space<hbm>>
    tpu.enqueue_dma source(%dma_start3A_74 : memref<6x128xi32, #tpu.memory_space<hbm>>) target(%dma_start3A_70 : memref<6x128xi32, #tpu.memory_space<vmem>>) target_semaphore(%arg17 : memref<!tpu.dma_semaphore, #tpu.memory_space<semaphore_mem>>)
    %scan3A_75 = arith.constant 0 : i32
    %scan3A_76 = arith.constant 0 : i32
    %scan3A_77 = arith.constant 40 : i32
    %scan3A_78 = arith.addi %scan3A_76, %scan3A_77 : i32
    %scan3A_79 = arith.constant 1 : i32
    scf.for %scan3A_82 = %scan3A_76 to %scan3A_78 step %scan3A_79  : i32 {
      %rem3A = arith.constant 2 : i32
      %rem3A_83 = arith.remsi %scan3A_82, %rem3A : i32
      %mul3A_84 = arith.constant 6 : i32
      %mul3A_85 = arith.muli %mul3A_84, %rem3A_83 : i32
      %sub3A = arith.constant 1 : i32
      %sub3A_86 = arith.subi %sub3A, %rem3A_83 : i32
      %mul3A_87 = arith.constant 6 : i32
      %mul3A_88 = arith.muli %mul3A_87, %sub3A_86 : i32
      %dma_wait3A_89 = arith.constant 0 : i32
      %dma_wait3A_90 = tpu.memref_slice %arg8[%mul3A_85, %dma_wait3A_89] : memref<12x128xi32, #tpu.memory_space<vmem>> -> memref<1x128xi32, #tpu.memory_space<vmem>>
      %dma_wait3A_91 = tpu.memref_squeeze %dma_wait3A_90 : memref<1x128xi32, #tpu.memory_space<vmem>> -> memref<128xi32, #tpu.memory_space<vmem>>
      %dma_wait3A_92 = arith.constant 0 : i32
      %dma_wait3A_93 = arith.constant 0 : i32
      %dma_wait3A_94 = tpu.memref_slice %arg2[%dma_wait3A_92, %dma_wait3A_93] : memref<10112x128xf32, #tpu.memory_space<hbm>> -> memref<10112x128xf32, #tpu.memory_space<hbm>>
      tpu.wait_indirect_dma semaphore(%arg12 : memref<!tpu.dma_semaphore, #tpu.memory_space<semaphore_mem>>) src(%dma_wait3A_94 : memref<10112x128xf32, #tpu.memory_space<hbm>>) dst(%arg9 : memref<128x128xf32, #tpu.memory_space<vmem>>)
      %add3A_95 = arith.constant 2 : i32
      %add3A_96 = arith.addi %mul3A_85, %add3A_95 : i32
      %dma_start3A_97 = arith.constant 0 : i32
      %dma_start3A_98 = tpu.memref_slice %arg8[%add3A_96, %dma_start3A_97] : memref<12x128xi32, #tpu.memory_space<vmem>> -> memref<1x128xi32, #tpu.memory_space<vmem>>
      %dma_start3A_99 = tpu.memref_squeeze %dma_start3A_98 : memref<1x128xi32, #tpu.memory_space<vmem>> -> memref<128xi32, #tpu.memory_space<vmem>>
      %dma_start3A_100 = arith.constant 0 : i32
      %dma_start3A_101 = arith.constant 0 : i32
      %dma_start3A_102 = tpu.memref_slice %arg6[%dma_start3A_100, %dma_start3A_101] : memref<10112x128xf32, #tpu.memory_space<vmem_shared>> -> memref<10112x128xf32, #tpu.memory_space<vmem_shared>>
      tpu.enqueue_indirect_dma source(%arg9 : memref<128x128xf32, #tpu.memory_space<vmem>>) target(%dma_start3A_102 : memref<10112x128xf32, #tpu.memory_space<vmem_shared>>) offsets(%dma_start3A_99 : memref<128xi32, #tpu.memory_space<vmem>>) semaphore(%arg14 : memref<!tpu.dma_semaphore, #tpu.memory_space<semaphore_mem>>) {add = true}
      %add3A_103 = arith.constant 4 : i32
      %add3A_104 = arith.addi %mul3A_85, %add3A_103 : i32
      %dma_start3A_105 = arith.constant 0 : i32
      %dma_start3A_106 = tpu.memref_slice %arg8[%add3A_104, %dma_start3A_105] : memref<12x128xi32, #tpu.memory_space<vmem>> -> memref<1x128xi32, #tpu.memory_space<vmem>>
      %dma_start3A_107 = tpu.memref_squeeze %dma_start3A_106 : memref<1x128xi32, #tpu.memory_space<vmem>> -> memref<128xi32, #tpu.memory_space<vmem>>
      %dma_start3A_108 = arith.constant 0 : i32
      %dma_start3A_109 = arith.constant 0 : i32
      %dma_start3A_110 = tpu.memref_slice %arg7[%dma_start3A_108, %dma_start3A_109] : memref<10112x16xf32, #tpu.memory_space<vmem_shared>> -> memref<10112x16xf32, #tpu.memory_space<vmem_shared>>
      tpu.enqueue_indirect_dma source(%arg11 : memref<128x16xf32, #tpu.memory_space<vmem>>) target(%dma_start3A_110 : memref<10112x16xf32, #tpu.memory_space<vmem_shared>>) offsets(%dma_start3A_107 : memref<128xi32, #tpu.memory_space<vmem>>) semaphore(%arg16 : memref<!tpu.dma_semaphore, #tpu.memory_space<semaphore_mem>>) {add = true}
      %add3A_111 = arith.constant 1 : i32
      %add3A_112 = arith.addi %mul3A_85, %add3A_111 : i32
      %dma_wait3A_113 = arith.constant 0 : i32
      %dma_wait3A_114 = tpu.memref_slice %arg8[%add3A_112, %dma_wait3A_113] : memref<12x128xi32, #tpu.memory_space<vmem>> -> memref<1x128xi32, #tpu.memory_space<vmem>>
      %dma_wait3A_115 = tpu.memref_squeeze %dma_wait3A_114 : memref<1x128xi32, #tpu.memory_space<vmem>> -> memref<128xi32, #tpu.memory_space<vmem>>
      %dma_wait3A_116 = arith.constant 0 : i32
      %dma_wait3A_117 = arith.constant 0 : i32
      %dma_wait3A_118 = tpu.memref_slice %arg2[%dma_wait3A_116, %dma_wait3A_117] : memref<10112x128xf32, #tpu.memory_space<hbm>> -> memref<10112x128xf32, #tpu.memory_space<hbm>>
      tpu.wait_indirect_dma semaphore(%arg13 : memref<!tpu.dma_semaphore, #tpu.memory_space<semaphore_mem>>) src(%dma_wait3A_118 : memref<10112x128xf32, #tpu.memory_space<hbm>>) dst(%arg10 : memref<128x128xf32, #tpu.memory_space<vmem>>)
      %add3A_119 = arith.constant 3 : i32
      %add3A_120 = arith.addi %mul3A_85, %add3A_119 : i32
      %dma_start3A_121 = arith.constant 0 : i32
      %dma_start3A_122 = tpu.memref_slice %arg8[%add3A_120, %dma_start3A_121] : memref<12x128xi32, #tpu.memory_space<vmem>> -> memref<1x128xi32, #tpu.memory_space<vmem>>
      %dma_start3A_123 = tpu.memref_squeeze %dma_start3A_122 : memref<1x128xi32, #tpu.memory_space<vmem>> -> memref<128xi32, #tpu.memory_space<vmem>>
      %dma_start3A_124 = arith.constant 0 : i32
      %dma_start3A_125 = arith.constant 0 : i32
      %dma_start3A_126 = tpu.memref_slice %arg6[%dma_start3A_124, %dma_start3A_125] : memref<10112x128xf32, #tpu.memory_space<vmem_shared>> -> memref<10112x128xf32, #tpu.memory_space<vmem_shared>>
      tpu.enqueue_indirect_dma source(%arg10 : memref<128x128xf32, #tpu.memory_space<vmem>>) target(%dma_start3A_126 : memref<10112x128xf32, #tpu.memory_space<vmem_shared>>) offsets(%dma_start3A_123 : memref<128xi32, #tpu.memory_space<vmem>>) semaphore(%arg15 : memref<!tpu.dma_semaphore, #tpu.memory_space<semaphore_mem>>) {add = true}
      %add3A_127 = arith.constant 5 : i32
      %add3A_128 = arith.addi %mul3A_85, %add3A_127 : i32
      %dma_start3A_129 = arith.constant 0 : i32
      %dma_start3A_130 = tpu.memref_slice %arg8[%add3A_128, %dma_start3A_129] : memref<12x128xi32, #tpu.memory_space<vmem>> -> memref<1x128xi32, #tpu.memory_space<vmem>>
      %dma_start3A_131 = tpu.memref_squeeze %dma_start3A_130 : memref<1x128xi32, #tpu.memory_space<vmem>> -> memref<128xi32, #tpu.memory_space<vmem>>
      %dma_start3A_132 = arith.constant 0 : i32
      %dma_start3A_133 = arith.constant 0 : i32
      %dma_start3A_134 = tpu.memref_slice %arg7[%dma_start3A_132, %dma_start3A_133] : memref<10112x16xf32, #tpu.memory_space<vmem_shared>> -> memref<10112x16xf32, #tpu.memory_space<vmem_shared>>
      tpu.enqueue_indirect_dma source(%arg11 : memref<128x16xf32, #tpu.memory_space<vmem>>) target(%dma_start3A_134 : memref<10112x16xf32, #tpu.memory_space<vmem_shared>>) offsets(%dma_start3A_131 : memref<128xi32, #tpu.memory_space<vmem>>) semaphore(%arg16 : memref<!tpu.dma_semaphore, #tpu.memory_space<semaphore_mem>>) {add = true}
      %add3A_135 = arith.constant 2 : i32
      %add3A_136 = arith.addi %mul3A_85, %add3A_135 : i32
      %dma_wait3A_137 = arith.constant 0 : i32
      %dma_wait3A_138 = tpu.memref_slice %arg8[%add3A_136, %dma_wait3A_137] : memref<12x128xi32, #tpu.memory_space<vmem>> -> memref<1x128xi32, #tpu.memory_space<vmem>>
      %dma_wait3A_139 = tpu.memref_squeeze %dma_wait3A_138 : memref<1x128xi32, #tpu.memory_space<vmem>> -> memref<128xi32, #tpu.memory_space<vmem>>
      %dma_wait3A_140 = arith.constant 0 : i32
      %dma_wait3A_141 = arith.constant 0 : i32
      %dma_wait3A_142 = tpu.memref_slice %arg6[%dma_wait3A_140, %dma_wait3A_141] : memref<10112x128xf32, #tpu.memory_space<vmem_shared>> -> memref<10112x128xf32, #tpu.memory_space<vmem_shared>>
      tpu.wait_indirect_dma semaphore(%arg14 : memref<!tpu.dma_semaphore, #tpu.memory_space<semaphore_mem>>) src(%arg9 : memref<128x128xf32, #tpu.memory_space<vmem>>) dst(%dma_wait3A_142 : memref<10112x128xf32, #tpu.memory_space<vmem_shared>>)
      %lt3A = arith.constant 39 : i32
      %lt3A_143 = arith.cmpi slt, %scan3A_82, %lt3A : i32
      %convert_element_type3A = arith.extui %lt3A_143 : i1 to i32
      %cond3A = arith.constant 0 : i32
      %cond3A_144 = arith.cmpi ne, %convert_element_type3A, %cond3A : i32
      scf.if %cond3A_144 {
        %add3A_179 = arith.constant 1 : i32
        %add3A_180 = arith.addi %scan3A_82, %add3A_179 : i32
        %dma_wait3A_181 = arith.constant 0 : i32
        %dma_wait3A_182 = tpu.memref_slice %arg8[%mul3A_88, %dma_wait3A_181] : memref<12x128xi32, #tpu.memory_space<vmem>> -> memref<6x128xi32, #tpu.memory_space<vmem>>
        %dma_wait3A_183 = arith.constant 0 : i32
        %dma_wait3A_184 = arith.constant 0 : i32
        %dma_wait3A_185 = tpu.memref_slice %arg3[%add3A, %add3A_180, %dma_wait3A_183, %dma_wait3A_184] : memref<32x40x6x128xi32, #tpu.memory_space<hbm>> -> memref<1x1x6x128xi32, #tpu.memory_space<hbm>>
        %dma_wait3A_186 = tpu.memref_squeeze %dma_wait3A_185 : memref<1x1x6x128xi32, #tpu.memory_space<hbm>> -> memref<6x128xi32, #tpu.memory_space<hbm>>
        %dma_wait3A_187 = arith.constant 0 : i32
        %dma_wait3A_188 = tpu.memref_slice %arg8[%mul3A_88, %dma_wait3A_187] : memref<12x128xi32, #tpu.memory_space<vmem>> -> memref<6x128xi32, #tpu.memory_space<vmem>>
        %dma_wait3A_189 = arith.constant 0 : i32
        %dma_wait3A_190 = arith.constant 0 : i32
        %dma_wait3A_191 = tpu.memref_slice %arg3[%add3A, %add3A_180, %dma_wait3A_189, %dma_wait3A_190] : memref<32x40x6x128xi32, #tpu.memory_space<hbm>> -> memref<1x1x6x128xi32, #tpu.memory_space<hbm>>
        %dma_wait3A_192 = tpu.memref_squeeze %dma_wait3A_191 : memref<1x1x6x128xi32, #tpu.memory_space<hbm>> -> memref<6x128xi32, #tpu.memory_space<hbm>>
        tpu.wait_dma2 semaphore(%arg17 : memref<!tpu.dma_semaphore, #tpu.memory_space<semaphore_mem>>) src(%dma_wait3A_192 : memref<6x128xi32, #tpu.memory_space<hbm>>) dst(%dma_wait3A_188 : memref<6x128xi32, #tpu.memory_space<vmem>>)
        %dma_start3A_193 = arith.constant 0 : i32
        %dma_start3A_194 = tpu.memref_slice %arg8[%mul3A_88, %dma_start3A_193] : memref<12x128xi32, #tpu.memory_space<vmem>> -> memref<1x128xi32, #tpu.memory_space<vmem>>
        %dma_start3A_195 = tpu.memref_squeeze %dma_start3A_194 : memref<1x128xi32, #tpu.memory_space<vmem>> -> memref<128xi32, #tpu.memory_space<vmem>>
        %dma_start3A_196 = arith.constant 0 : i32
        %dma_start3A_197 = arith.constant 0 : i32
        %dma_start3A_198 = tpu.memref_slice %arg2[%dma_start3A_196, %dma_start3A_197] : memref<10112x128xf32, #tpu.memory_space<hbm>> -> memref<10112x128xf32, #tpu.memory_space<hbm>>
        tpu.enqueue_indirect_dma source(%dma_start3A_198 : memref<10112x128xf32, #tpu.memory_space<hbm>>) target(%arg9 : memref<128x128xf32, #tpu.memory_space<vmem>>) offsets(%dma_start3A_195 : memref<128xi32, #tpu.memory_space<vmem>>) semaphore(%arg12 : memref<!tpu.dma_semaphore, #tpu.memory_space<semaphore_mem>>)
      } else {
      }
      %add3A_145 = arith.constant 3 : i32
      %add3A_146 = arith.addi %mul3A_85, %add3A_145 : i32
      %dma_wait3A_147 = arith.constant 0 : i32
      %dma_wait3A_148 = tpu.memref_slice %arg8[%add3A_146, %dma_wait3A_147] : memref<12x128xi32, #tpu.memory_space<vmem>> -> memref<1x128xi32, #tpu.memory_space<vmem>>
      %dma_wait3A_149 = tpu.memref_squeeze %dma_wait3A_148 : memref<1x128xi32, #tpu.memory_space<vmem>> -> memref<128xi32, #tpu.memory_space<vmem>>
      %dma_wait3A_150 = arith.constant 0 : i32
      %dma_wait3A_151 = arith.constant 0 : i32
      %dma_wait3A_152 = tpu.memref_slice %arg6[%dma_wait3A_150, %dma_wait3A_151] : memref<10112x128xf32, #tpu.memory_space<vmem_shared>> -> memref<10112x128xf32, #tpu.memory_space<vmem_shared>>
      tpu.wait_indirect_dma semaphore(%arg15 : memref<!tpu.dma_semaphore, #tpu.memory_space<semaphore_mem>>) src(%arg10 : memref<128x128xf32, #tpu.memory_space<vmem>>) dst(%dma_wait3A_152 : memref<10112x128xf32, #tpu.memory_space<vmem_shared>>)
      %lt3A_153 = arith.constant 39 : i32
      %lt3A_154 = arith.cmpi slt, %scan3A_82, %lt3A_153 : i32
      %convert_element_type3A_155 = arith.extui %lt3A_154 : i1 to i32
      %cond3A_156 = arith.constant 0 : i32
      %cond3A_157 = arith.cmpi ne, %convert_element_type3A_155, %cond3A_156 : i32
      scf.if %cond3A_157 {
        %add3A_179 = arith.constant 1 : i32
        %add3A_180 = arith.addi %mul3A_88, %add3A_179 : i32
        %dma_start3A_181 = arith.constant 0 : i32
        %dma_start3A_182 = tpu.memref_slice %arg8[%add3A_180, %dma_start3A_181] : memref<12x128xi32, #tpu.memory_space<vmem>> -> memref<1x128xi32, #tpu.memory_space<vmem>>
        %dma_start3A_183 = tpu.memref_squeeze %dma_start3A_182 : memref<1x128xi32, #tpu.memory_space<vmem>> -> memref<128xi32, #tpu.memory_space<vmem>>
        %dma_start3A_184 = arith.constant 0 : i32
        %dma_start3A_185 = arith.constant 0 : i32
        %dma_start3A_186 = tpu.memref_slice %arg2[%dma_start3A_184, %dma_start3A_185] : memref<10112x128xf32, #tpu.memory_space<hbm>> -> memref<10112x128xf32, #tpu.memory_space<hbm>>
        tpu.enqueue_indirect_dma source(%dma_start3A_186 : memref<10112x128xf32, #tpu.memory_space<hbm>>) target(%arg10 : memref<128x128xf32, #tpu.memory_space<vmem>>) offsets(%dma_start3A_183 : memref<128xi32, #tpu.memory_space<vmem>>) semaphore(%arg13 : memref<!tpu.dma_semaphore, #tpu.memory_space<semaphore_mem>>)
      } else {
      }
      %add3A_158 = arith.constant 4 : i32
      %add3A_159 = arith.addi %mul3A_85, %add3A_158 : i32
      %dma_wait3A_160 = arith.constant 0 : i32
      %dma_wait3A_161 = tpu.memref_slice %arg8[%add3A_159, %dma_wait3A_160] : memref<12x128xi32, #tpu.memory_space<vmem>> -> memref<1x128xi32, #tpu.memory_space<vmem>>
      %dma_wait3A_162 = tpu.memref_squeeze %dma_wait3A_161 : memref<1x128xi32, #tpu.memory_space<vmem>> -> memref<128xi32, #tpu.memory_space<vmem>>
      %dma_wait3A_163 = arith.constant 0 : i32
      %dma_wait3A_164 = arith.constant 0 : i32
      %dma_wait3A_165 = tpu.memref_slice %arg7[%dma_wait3A_163, %dma_wait3A_164] : memref<10112x16xf32, #tpu.memory_space<vmem_shared>> -> memref<10112x16xf32, #tpu.memory_space<vmem_shared>>
      tpu.wait_indirect_dma semaphore(%arg16 : memref<!tpu.dma_semaphore, #tpu.memory_space<semaphore_mem>>) src(%arg11 : memref<128x16xf32, #tpu.memory_space<vmem>>) dst(%dma_wait3A_165 : memref<10112x16xf32, #tpu.memory_space<vmem_shared>>)
      %add3A_166 = arith.constant 5 : i32
      %add3A_167 = arith.addi %mul3A_85, %add3A_166 : i32
      %dma_wait3A_168 = arith.constant 0 : i32
      %dma_wait3A_169 = tpu.memref_slice %arg8[%add3A_167, %dma_wait3A_168] : memref<12x128xi32, #tpu.memory_space<vmem>> -> memref<1x128xi32, #tpu.memory_space<vmem>>
      %dma_wait3A_170 = tpu.memref_squeeze %dma_wait3A_169 : memref<1x128xi32, #tpu.memory_space<vmem>> -> memref<128xi32, #tpu.memory_space<vmem>>
      %dma_wait3A_171 = arith.constant 0 : i32
      %dma_wait3A_172 = arith.constant 0 : i32
      %dma_wait3A_173 = tpu.memref_slice %arg7[%dma_wait3A_171, %dma_wait3A_172] : memref<10112x16xf32, #tpu.memory_space<vmem_shared>> -> memref<10112x16xf32, #tpu.memory_space<vmem_shared>>
      tpu.wait_indirect_dma semaphore(%arg16 : memref<!tpu.dma_semaphore, #tpu.memory_space<semaphore_mem>>) src(%arg11 : memref<128x16xf32, #tpu.memory_space<vmem>>) dst(%dma_wait3A_173 : memref<10112x16xf32, #tpu.memory_space<vmem_shared>>)
      %lt3A_174 = arith.constant 38 : i32
      %lt3A_175 = arith.cmpi slt, %scan3A_82, %lt3A_174 : i32
      %convert_element_type3A_176 = arith.extui %lt3A_175 : i1 to i32
      %cond3A_177 = arith.constant 0 : i32
      %cond3A_178 = arith.cmpi ne, %convert_element_type3A_176, %cond3A_177 : i32
      scf.if %cond3A_178 {
        %add3A_179 = arith.constant 2 : i32
        %add3A_180 = arith.addi %scan3A_82, %add3A_179 : i32
        %dma_start3A_181 = arith.constant 0 : i32
        %dma_start3A_182 = tpu.memref_slice %arg8[%mul3A_85, %dma_start3A_181] : memref<12x128xi32, #tpu.memory_space<vmem>> -> memref<6x128xi32, #tpu.memory_space<vmem>>
        %dma_start3A_183 = arith.constant 0 : i32
        %dma_start3A_184 = arith.constant 0 : i32
        %dma_start3A_185 = tpu.memref_slice %arg3[%add3A, %add3A_180, %dma_start3A_183, %dma_start3A_184] : memref<32x40x6x128xi32, #tpu.memory_space<hbm>> -> memref<1x1x6x128xi32, #tpu.memory_space<hbm>>
        %dma_start3A_186 = tpu.memref_squeeze %dma_start3A_185 : memref<1x1x6x128xi32, #tpu.memory_space<hbm>> -> memref<6x128xi32, #tpu.memory_space<hbm>>
        %dma_start3A_187 = arith.constant 0 : i32
        %dma_start3A_188 = tpu.memref_slice %arg8[%mul3A_85, %dma_start3A_187] : memref<12x128xi32, #tpu.memory_space<vmem>> -> memref<6x128xi32, #tpu.memory_space<vmem>>
        %dma_start3A_189 = arith.constant 0 : i32
        %dma_start3A_190 = arith.constant 0 : i32
        %dma_start3A_191 = tpu.memref_slice %arg3[%add3A, %add3A_180, %dma_start3A_189, %dma_start3A_190] : memref<32x40x6x128xi32, #tpu.memory_space<hbm>> -> memref<1x1x6x128xi32, #tpu.memory_space<hbm>>
        %dma_start3A_192 = tpu.memref_squeeze %dma_start3A_191 : memref<1x1x6x128xi32, #tpu.memory_space<hbm>> -> memref<6x128xi32, #tpu.memory_space<hbm>>
        tpu.enqueue_dma source(%dma_start3A_192 : memref<6x128xi32, #tpu.memory_space<hbm>>) target(%dma_start3A_188 : memref<6x128xi32, #tpu.memory_space<vmem>>) target_semaphore(%arg17 : memref<!tpu.dma_semaphore, #tpu.memory_space<semaphore_mem>>)
      } else {
      }
    }
    %scan3A_80 = arith.constant 40 : i32
    %barrier3A_81 = arith.constant 0 : index
    tpu.barrier barrier_id(%barrier3A_81)
    "tpu.region"() ({
      %run_scoped3A = tpu.sem_alloc : memref<!tpu.dma_semaphore, #tpu.memory_space<semaphore_mem>>
      %dma_start3A_82 = arith.constant 0 : i32
      %dma_start3A_83 = tpu.memref_slice %arg4[%arg0, %multiple_of3A, %dma_start3A_82] : memref<2x10112x128xf32, #tpu.memory_space<hbm>> -> memref<1x632x128xf32, #tpu.memory_space<hbm>>
      %dma_start3A_84 = tpu.memref_squeeze %dma_start3A_83 : memref<1x632x128xf32, #tpu.memory_space<hbm>> -> memref<632x128xf32, #tpu.memory_space<hbm>>
      %dma_start3A_85 = arith.constant 0 : i32
      %dma_start3A_86 = tpu.memref_slice %arg6[%multiple_of3A, %dma_start3A_85] : memref<10112x128xf32, #tpu.memory_space<vmem_shared>> -> memref<632x128xf32, #tpu.memory_space<vmem_shared>>
      tpu.enqueue_dma source(%dma_start3A_86 : memref<632x128xf32, #tpu.memory_space<vmem_shared>>) target(%dma_start3A_84 : memref<632x128xf32, #tpu.memory_space<hbm>>) target_semaphore(%run_scoped3A : memref<!tpu.dma_semaphore, #tpu.memory_space<semaphore_mem>>)
      %dma_wait3A_87 = arith.constant 0 : i32
      %dma_wait3A_88 = tpu.memref_slice %arg4[%arg0, %multiple_of3A, %dma_wait3A_87] : memref<2x10112x128xf32, #tpu.memory_space<hbm>> -> memref<1x632x128xf32, #tpu.memory_space<hbm>>
      %dma_wait3A_89 = tpu.memref_squeeze %dma_wait3A_88 : memref<1x632x128xf32, #tpu.memory_space<hbm>> -> memref<632x128xf32, #tpu.memory_space<hbm>>
      %dma_wait3A_90 = arith.constant 0 : i32
      %dma_wait3A_91 = tpu.memref_slice %arg6[%multiple_of3A, %dma_wait3A_90] : memref<10112x128xf32, #tpu.memory_space<vmem_shared>> -> memref<632x128xf32, #tpu.memory_space<vmem_shared>>
      tpu.wait_dma2 semaphore(%run_scoped3A : memref<!tpu.dma_semaphore, #tpu.memory_space<semaphore_mem>>) src(%dma_wait3A_91 : memref<632x128xf32, #tpu.memory_space<vmem_shared>>) dst(%dma_wait3A_89 : memref<632x128xf32, #tpu.memory_space<hbm>>)
      tpu.yield
    }) : () -> ()
    "tpu.region"() ({
      %run_scoped3A = tpu.sem_alloc : memref<!tpu.dma_semaphore, #tpu.memory_space<semaphore_mem>>
      %dma_start3A_82 = arith.constant 0 : i32
      %dma_start3A_83 = tpu.memref_slice %arg5[%arg0, %multiple_of3A, %dma_start3A_82] : memref<2x10112x16xf32, #tpu.memory_space<hbm>> -> memref<1x632x16xf32, #tpu.memory_space<hbm>>
      %dma_start3A_84 = tpu.memref_squeeze %dma_start3A_83 : memref<1x632x16xf32, #tpu.memory_space<hbm>> -> memref<632x16xf32, #tpu.memory_space<hbm>>
      %dma_start3A_85 = arith.constant 0 : i32
      %dma_start3A_86 = tpu.memref_slice %arg7[%multiple_of3A, %dma_start3A_85] : memref<10112x16xf32, #tpu.memory_space<vmem_shared>> -> memref<632x16xf32, #tpu.memory_space<vmem_shared>>
      tpu.enqueue_dma source(%dma_start3A_86 : memref<632x16xf32, #tpu.memory_space<vmem_shared>>) target(%dma_start3A_84 : memref<632x16xf32, #tpu.memory_space<hbm>>) target_semaphore(%run_scoped3A : memref<!tpu.dma_semaphore, #tpu.memory_space<semaphore_mem>>)
      %dma_wait3A_87 = arith.constant 0 : i32
      %dma_wait3A_88 = tpu.memref_slice %arg5[%arg0, %multiple_of3A, %dma_wait3A_87] : memref<2x10112x16xf32, #tpu.memory_space<hbm>> -> memref<1x632x16xf32, #tpu.memory_space<hbm>>
      %dma_wait3A_89 = tpu.memref_squeeze %dma_wait3A_88 : memref<1x632x16xf32, #tpu.memory_space<hbm>> -> memref<632x16xf32, #tpu.memory_space<hbm>>
      %dma_wait3A_90 = arith.constant 0 : i32
      %dma_wait3A_91 = tpu.memref_slice %arg7[%multiple_of3A, %dma_wait3A_90] : memref<10112x16xf32, #tpu.memory_space<vmem_shared>> -> memref<632x16xf32, #tpu.memory_space<vmem_shared>>
      tpu.wait_dma2 semaphore(%run_scoped3A : memref<!tpu.dma_semaphore, #tpu.memory_space<semaphore_mem>>) src(%dma_wait3A_91 : memref<632x16xf32, #tpu.memory_space<vmem_shared>>) dst(%dma_wait3A_89 : memref<632x16xf32, #tpu.memory_space<hbm>>)
      tpu.yield
    }) : () -> ()
    return
  }
}

module attributes {stable_mosaic.version = 14 : i64} {
  func.func @_tc_body(%arg0: i32, %arg1: memref<1000x128xf32, #tpu.memory_space<vmem>>, %arg2: memref<2x1000x128xf32, #tpu.memory_space<vmem>>, %arg3: memref<2x1000x16xf32, #tpu.memory_space<vmem>>, %arg4: memref<128x128xf32, #tpu.memory_space<vmem>>, %arg5: memref<128x128xf32, #tpu.memory_space<vmem>>, %arg6: memref<1x128xf32, #tpu.memory_space<vmem>>, %arg7: memref<1000x128xf32, #tpu.memory_space<vmem>>) attributes {dimension_semantics = [#tpu.dimension_semantics<arbitrary>], iteration_bounds = array<i64: 10>, scalar_prefetch = 0 : i64, scratch_operands = 0 : i64, tpu.core_type = #tpu.core_type<tc>, window_params = [{transform_indices = @transform_0, window_bounds = array<i64: 1000, 128>}, {transform_indices = @transform_1, window_bounds = array<i64: 2, 1000, 128>}, {transform_indices = @transform_2, window_bounds = array<i64: 2, 1000, 16>}, {pipeline_mode = #tpu.pipeline_mode<synchronous>, transform_indices = @transform_3, window_bounds = array<i64: 128, 128>}, {pipeline_mode = #tpu.pipeline_mode<synchronous>, transform_indices = @transform_4, window_bounds = array<i64: 128, 128>}, {pipeline_mode = #tpu.pipeline_mode<synchronous>, transform_indices = @transform_5, window_bounds = array<i64: 1, 128>}, {transform_indices = @transform_6, window_bounds = array<i64: 1000, 128>}]} {
    %get3A = arith.constant 0 : index
    %get3A_0 = arith.constant 0 : index
    %get3A_1 = arith.constant 0 : index
    %get3A_2 = vector.load %arg2[%get3A, %get3A_0, %get3A_1] : memref<2x1000x128xf32, #tpu.memory_space<vmem>>, vector<1x1000x128xf32>
    %get3A_3 = vector.shape_cast %get3A_2 : vector<1x1000x128xf32> to vector<1000x128xf32>
    %get3A_4 = arith.constant 1 : index
    %get3A_5 = arith.constant 0 : index
    %get3A_6 = arith.constant 0 : index
    %get3A_7 = vector.load %arg2[%get3A_4, %get3A_5, %get3A_6] : memref<2x1000x128xf32, #tpu.memory_space<vmem>>, vector<1x1000x128xf32>
    %get3A_8 = vector.shape_cast %get3A_7 : vector<1x1000x128xf32> to vector<1000x128xf32>
    %add3A = arith.addf %get3A_3, %get3A_8 : vector<1000x128xf32>
    %get3A_9 = arith.constant 0 : index
    %get3A_10 = arith.constant 0 : index
    %get3A_11 = arith.constant 0 : index
    %get3A_12 = vector.load %arg3[%get3A_9, %get3A_10, %get3A_11] : memref<2x1000x16xf32, #tpu.memory_space<vmem>>, vector<1x1000x16xf32>
    %get3A_13 = vector.shape_cast %get3A_12 : vector<1x1000x16xf32> to vector<1000x16xf32>
    %get3A_14 = arith.constant 1 : index
    %get3A_15 = arith.constant 0 : index
    %get3A_16 = arith.constant 0 : index
    %get3A_17 = vector.load %arg3[%get3A_14, %get3A_15, %get3A_16] : memref<2x1000x16xf32, #tpu.memory_space<vmem>>, vector<1x1000x16xf32>
    %get3A_18 = vector.shape_cast %get3A_17 : vector<1x1000x16xf32> to vector<1000x16xf32>
    %add3A_19 = arith.addf %get3A_13, %get3A_18 : vector<1000x16xf32>
    %reduce_sum3A = arith.constant dense<0.000000e+00> : vector<1000xf32>
    %reduce_sum3A_20 = vector.multi_reduction <add>, %add3A_19, %reduce_sum3A [1] : vector<1000x16xf32> to vector<1000xf32>
    %broadcast_in_dim3A = vector.shape_cast %reduce_sum3A_20 : vector<1000xf32> to vector<1000x1xf32>
    %max3A = arith.constant 1.000000e+00 : f32
    %max3A_21 = vector.broadcast %max3A : f32 to vector<1000x1xf32>
    %max3A_22 = arith.maximumf %broadcast_in_dim3A, %max3A_21 : vector<1000x1xf32>
    %div3A = arith.constant 1.000000e+00 : f32
    %div3A_23 = vector.broadcast %div3A : f32 to vector<1000x1xf32>
    %div3A_24 = arith.divf %div3A_23, %max3A_22 : vector<1000x1xf32>
    %mul3A = vector.broadcast %div3A_24 : vector<1000x1xf32> to vector<1000x128xf32>
    %mul3A_25 = arith.mulf %add3A, %mul3A : vector<1000x128xf32>
    %get3A_26 = arith.constant 0 : index
    %get3A_27 = arith.constant 0 : index
    %get3A_28 = vector.load %arg1[%get3A_26, %get3A_27] : memref<1000x128xf32, #tpu.memory_space<vmem>>, vector<1000x128xf32>
    %get3A_29 = arith.constant 0 : index
    %get3A_30 = arith.constant 0 : index
    %get3A_31 = vector.load %arg4[%get3A_29, %get3A_30] : memref<128x128xf32, #tpu.memory_space<vmem>>, vector<128x128xf32>
    %dot_general3A = arith.constant dense<0.000000e+00> : vector<1000x128xf32>
    %dot_general3A_32 = tpu.matmul %get3A_28, %get3A_31, %dot_general3A {dimension_numbers = #tpu.dot_dimension_numbers<[1], [0], [0], [1], [0, 0, 1, 1], [], []>, transpose_lhs_hint = false} : vector<1000x128xf32>, vector<128x128xf32>, vector<1000x128xf32> -> vector<1000x128xf32>
    %get3A_33 = arith.constant 0 : index
    %get3A_34 = arith.constant 0 : index
    %get3A_35 = vector.load %arg5[%get3A_33, %get3A_34] : memref<128x128xf32, #tpu.memory_space<vmem>>, vector<128x128xf32>
    %dot_general3A_36 = arith.constant dense<0.000000e+00> : vector<1000x128xf32>
    %dot_general3A_37 = tpu.matmul %mul3A_25, %get3A_35, %dot_general3A_36 {dimension_numbers = #tpu.dot_dimension_numbers<[1], [0], [0], [1], [0, 0, 1, 1], [], []>, transpose_lhs_hint = false} : vector<1000x128xf32>, vector<128x128xf32>, vector<1000x128xf32> -> vector<1000x128xf32>
    %add3A_38 = arith.addf %dot_general3A_32, %dot_general3A_37 : vector<1000x128xf32>
    %get3A_39 = arith.constant 0 : index
    %get3A_40 = arith.constant 0 : index
    %get3A_41 = vector.load %arg6[%get3A_39, %get3A_40] : memref<1x128xf32, #tpu.memory_space<vmem>>, vector<1x128xf32>
    %add3A_42 = vector.broadcast %get3A_41 : vector<1x128xf32> to vector<1000x128xf32>
    %add3A_43 = arith.addf %add3A_38, %add3A_42 : vector<1000x128xf32>
    %swap3A = arith.constant 0 : index
    %swap3A_44 = arith.constant 0 : index
    %swap3A_45 = vector.load %arg7[%swap3A, %swap3A_44] : memref<1000x128xf32, #tpu.memory_space<vmem>>, vector<1000x128xf32>
    tpu.vector_store %arg7[%swap3A, %swap3A_44], %add3A_43 {strides = array<i32>} : memref<1000x128xf32, #tpu.memory_space<vmem>>, vector<1000x128xf32>,
    return
  }
  func.func @transform_0(%arg0: i32) -> (i32, i32) {
    %c0_i32 = arith.constant 0 : i32
    %c0_i32_0 = arith.constant 0 : i32
    return %arg0, %c0_i32 : i32, i32
  }
  func.func @transform_1(%arg0: i32) -> (i32, i32, i32) {
    %c0_i32 = arith.constant 0 : i32
    %c0_i32_0 = arith.constant 0 : i32
    %c0_i32_1 = arith.constant 0 : i32
    return %c0_i32, %arg0, %c0_i32_0 : i32, i32, i32
  }
  func.func @transform_2(%arg0: i32) -> (i32, i32, i32) {
    %c0_i32 = arith.constant 0 : i32
    %c0_i32_0 = arith.constant 0 : i32
    %c0_i32_1 = arith.constant 0 : i32
    return %c0_i32, %arg0, %c0_i32_0 : i32, i32, i32
  }
  func.func @transform_3(%arg0: i32) -> (i32, i32) {
    %c0_i32 = arith.constant 0 : i32
    %c0_i32_0 = arith.constant 0 : i32
    %c0_i32_1 = arith.constant 0 : i32
    return %c0_i32, %c0_i32_0 : i32, i32
  }
  func.func @transform_4(%arg0: i32) -> (i32, i32) {
    %c0_i32 = arith.constant 0 : i32
    %c0_i32_0 = arith.constant 0 : i32
    %c0_i32_1 = arith.constant 0 : i32
    return %c0_i32, %c0_i32_0 : i32, i32
  }
  func.func @transform_5(%arg0: i32) -> (i32, i32) {
    %c0_i32 = arith.constant 0 : i32
    %c0_i32_0 = arith.constant 0 : i32
    %c0_i32_1 = arith.constant 0 : i32
    return %c0_i32, %c0_i32_0 : i32, i32
  }
  func.func @transform_6(%arg0: i32) -> (i32, i32) {
    %c0_i32 = arith.constant 0 : i32
    %c0_i32_0 = arith.constant 0 : i32
    return %arg0, %c0_i32 : i32, i32
  }
}

</mosaic_0001>

<sc_bundles>
// kernel: kernel.4.cloned.1.call-start
scs
__scs_entry_jumppad:
0x0: {  	(pc) =	sbr.rel $0x88, $3  }
0x1: {  	(tag) =	ssettag $0x0;
	lr =	simm.s32 $0x1  }
0x2: {  	[smem:$0x3F9B] =	sst lr;
	_ =	strace $0xD0000000  }
0x3: {  	_ = 	snop  }
0x4: {  	_ = 	snop  }
0x5: {  	_ = 	snop  }
0x6: {  	_ = 	snop  }
0x7: {  	_ = 	snop  }
__scs_overlays_trampoline_lowered:
0x8: {  	[smem:$0x3FAA] =	sst s0  }
0x9: {  	[smem:$0x3FAB] =	sst s1  }
0xa: {  	[smem:$0x3FAC] =	sst s2  }
0xb: {  	[smem:$0x3FAD] =	sst s3  }
0xc: {  	[smem:$0x3FAE] =	sst s4  }
0xd: {  	[smem:$0x3FAF] =	sst s5  }
0xe: {  	[smem:$0x3FB0] =	sst s6  }
0xf: {  	[smem:$0x3FB1] =	sst s7  }
0x10: {  	[smem:$0x3FB2] =	sst s8  }
0x11: {  	[smem:$0x3FB3] =	sst s9;
	s0 =	simm.s32 @!p0 $0x0  }
0x12: {  	s1 =	sld [smem:$0x3F99];
	s0 =	simm.s32 @p0 $0x1  }
0x13: {  	[smem:$0x3FB4] =	sst s0;
	s0 =	simm.s32 @!p1 $0x0  }
0x14: {  	s2 =	sld [smem:$0x3F98];
	s0 =	simm.s32 @p1 $0x1  }
0x15: {  	[smem:$0x3FB5] =	sst s0;
	s0 =	simm.s32 @!p2 $0x0  }
0x16: {  	s3 =	sld [smem:$0x3FDB];
	s0 =	simm.s32 @p2 $0x1  }
0x17: {  	s4 =	simm.s32 $0x1BF5;
	[smem:$0x3FB7] =	sst s0  }
0x18: {  	s0 =	sld [smem:$0x3F9A];
	_ =	swait.ge [sflag:s4], $0x0  }
0x19: {  	s7 =	sld [smem:$0x3F9B]  }
0x1a: {  	s8 =	sadd.s32 $0xFFFFE003, lr  }
0x1b: {  	s9 =	sadd.s32 $0xFFFFFEF7, lr;
	s5 =	simm.s32 $0xFFFFFFFF;
	p2 =	slt.u32 s8, $0xFFFFF086  }
0x1c: {  	p1 =	slt.u32 s9, $0xF7A;
	s5 =	simm.s32 @!p2 $0x0  }
0x1d: {  	s5 =	simm.s32 @p1 $0x1;
	p0 =	seq.s32 s7, s2  }
0x1e: {  	s7 =	smul.u32 @!p0 $0xF7A, s2;
	p2 =	seq.s32 @!p0 s5, $0x0  }
0x1f: {  	s9 =	smul.u32 $0xF7A, s1;
	s8 =	simm.s32 @!p0 $0x1BF5;
	p2 =	por !p2, p0  }
0x20: {  	[sflag:s8] =	ssyncset.s32 @!p0 $0xFFFFF086;
	s6 =	sadd.s32 @!p0 s3, s7;
	s7 =	simm.s32 @!p0 $0x108  }
0x21: {  	s3 =	sadd.s32 s3, s9;
	s6 =	sadd.s32 @!p0 $0x88, s6;
	s7 =	simm.s32 @p2 $0x1082  }
0x22: {  	[simem:s7], [sflag:s8] =	dma.local @!p0 [hbm:s6], $0xF7A  }
0x23: {  	s9 =	sor.u32 $0xD0000000, s2;
	s6 =	simm.s32 $0x108;
	_ =	swait.ge @!p0 [sflag:s8], $0x0  }
0x24: {  	s3 =	sadd.s32 $0x88, s3;
	s6 =	simm.s32 @!p1 $0x1082;
	[sflag:s4] =	ssyncset.s32 $0xFFFFF086  }
0x25: {  	[simem:s6], [sflag:s4] =	dma.local [hbm:s3], $0xF7A  }
0x26: {  	[smem:$0x3F9B] =	sst s1;
	(tag) =	ssettag s2;
	_ =	strace s9  }
0x27: {  	s1 =	sld [smem:$0x3FAB]  }
0x28: {  	s2 =	sld [smem:$0x3FAC]  }
0x29: {  	s4 =	sld [smem:$0x3FAE]  }
0x2a: {  	p0 =	seq.s32 s5, $0x0;
	s5 =	sld [smem:$0x3FAF]  }
0x2b: {  	s6 =	sld [smem:$0x3FB0]  }
0x2c: {  	s7 =	sld [smem:$0x3FB1]  }
0x2d: {  	s3 =	simm.s32 $0x108;
	s8 =	sld [smem:$0x3FB2]  }
0x2e: {  	s3 =	simm.s32 @!p0 $0x1082;
	s9 =	sld [smem:$0x3FB3]  }
0x2f: {  	lr =	sadd.s32 s0, s3;
	s0 =	sld [smem:$0x3FAA]  }
0x30: {  	s3 =	sld [smem:$0x3FAD]  }
0x31: {  	[smem:$0x3FB6] =	sst s10  }
0x32: {  	s10 =	sld [smem:$0x3FB4];
	_ =	sdelay $0x3  }
0x33: {  	p0 =	seq.s32 s10, $0x1;
	s10 =	sld [smem:$0x3FB6];
	_ =	sdelay $0x3  }
0x34: {  	[smem:$0x3FB6] =	sst s10  }
0x35: {  	s10 =	sld [smem:$0x3FB5];
	_ =	sdelay $0x3  }
0x36: {  	p1 =	seq.s32 s10, $0x1;
	s10 =	sld [smem:$0x3FB6];
	_ =	sdelay $0x3  }
0x37: {  	[smem:$0x3FB6] =	sst s10  }
0x38: {  	s10 =	sld [smem:$0x3FB7]  }
0x39: {  	_ = 	snop;
	(pc) =	sbr.ind lr, $3  }
0x3a: {  	_ = 	snop  }
0x3b: {  	_ = 	snop  }
0x3c: {  	p2 =	seq.s32 s10, $0x1;
	s10 =	sld [smem:$0x3FB6]  }
0x3d: {  	_ =	shalt  }
0x3e: {  	_ =	shalt  }
0x3f: {  	_ =	shalt  }
0x40: {  	_ =	shalt  }
0x41: {  	_ =	shalt  }
0x42: {  	_ =	shalt  }
0x43: {  	_ =	shalt  }
0x44: {  	_ =	shalt  }
0x45: {  	_ =	shalt  }
0x46: {  	_ =	shalt  }
0x47: {  	_ =	shalt  }
0x48: {  	_ =	shalt  }
0x49: {  	_ =	shalt  }
0x4a: {  	_ =	shalt  }
0x4b: {  	_ =	shalt  }
0x4c: {  	_ =	shalt  }
0x4d: {  	_ =	shalt  }
0x4e: {  	_ =	shalt  }
0x4f: {  	_ =	shalt  }
0x50: {  	_ =	shalt  }
0x51: {  	_ =	shalt  }
0x52: {  	_ =	shalt  }
0x53: {  	_ =	shalt  }
0x54: {  	_ =	shalt  }
0x55: {  	_ =	shalt  }
0x56: {  	_ =	shalt  }
0x57: {  	_ =	shalt  }
0x58: {  	_ =	shalt  }
0x59: {  	_ =	shalt  }
0x5a: {  	_ =	shalt  }
0x5b: {  	_ =	shalt  }
0x5c: {  	_ =	shalt  }
0x5d: {  	_ =	shalt  }
0x5e: {  	_ =	shalt  }
0x5f: {  	_ =	shalt  }
0x60: {  	_ =	shalt  }
0x61: {  	_ =	shalt  }
0x62: {  	_ =	shalt  }
0x63: {  	_ =	shalt  }
0x64: {  	_ =	shalt  }
0x65: {  	_ =	shalt  }
0x66: {  	_ =	shalt  }
0x67: {  	_ =	shalt  }
0x68: {  	_ =	shalt  }
0x69: {  	_ =	shalt  }
0x6a: {  	_ =	shalt  }
0x6b: {  	_ =	shalt  }
0x6c: {  	_ =	shalt  }
0x6d: {  	_ =	shalt  }
0x6e: {  	_ =	shalt  }
0x6f: {  	_ =	shalt  }
0x70: {  	_ =	shalt  }
0x71: {  	_ =	shalt  }
0x72: {  	_ =	shalt  }
0x73: {  	_ =	shalt  }
0x74: {  	_ =	shalt  }
0x75: {  	_ =	shalt  }
0x76: {  	_ =	shalt  }
0x77: {  	_ =	shalt  }
0x78: {  	_ =	shalt  }
0x79: {  	_ =	shalt  }
0x7a: {  	_ =	shalt  }
0x7b: {  	_ =	shalt  }
0x7c: {  	_ =	shalt  }
0x7d: {  	_ =	shalt  }
0x7e: {  	_ =	shalt  }
0x7f: {  	_ =	shalt  }
0x80: {  	_ =	shalt  }
0x81: {  	_ =	shalt  }
0x82: {  	_ =	shalt  }
0x83: {  	_ =	shalt  }
0x84: {  	_ =	shalt  }
0x85: {  	_ =	shalt  }
0x86: {  	_ =	shalt  }
0x87: {  	_ =	shalt  }
.Lfunc_end0:
.L_simem_size_0:
called_computation_lowered:
.L_overlay_start_0:
0x88: {  	s2 =	sld [smem:$0x3FD9]  }
0x89: {  	s3 =	sld [smem:$0x3FFE];
	_ =	sdelay $0x1  }
0x8a: {  	s1 =	srdreg.scid  }
0x8b: {  	s0 =	sand.u32 $0x1, s1  }
0x8c: {  	s17 =	sshll.u32 s0, $0xA;
	s2 =	sadd.s32 s3, s2  }
0x8d: {  	s2 =	sadd.s32 s2, s17  }
0x8e: {  	[smem:$0x3FC2] =	sst s2  }
0x8f: {  	_ = 	snop  }
0x90: {  	s2 =	sld [smem:$0x3FD0];
	(tm) =	ssettm $0x1  }
0x91: {  	s18 =	sld [smem:$0x3FFB];
	_ =	sdelay $0x3  }
0x92: {  	_ =	strace s18  }
0x93: {  	s3 =	sld [smem:$0x3FFC];
	_ =	sdelay $0x3  }
0x94: {  	_ =	strace s3  }
0x95: {  	s3 =	sld [smem:$0x3FFD];
	_ =	sdelay $0x3  }
0x96: {  	_ =	strace s3  }
0x97: {  	_ =	strace $0x8FFFFFFF  }
0x98: {  	s19 =	sld [smem:$0x3FDB];
	_ =	sdelay $0x1  }
0x99: {  	s4 =	simm.s32 $_scs_section_size  }
0x9a: {  	s5 =	simm.s32 $_size__tile_overlayer_lowered;
	s6 =	simm.s32 $_tile_overlayer_lowered  }
0x9b: {  	s22 =	simm.s32 $0x1BFF;
	s21 =	sshll.u32 s6, $0x1;
	s3 =	sadd.s32 s4, s19  }
0x9c: {  	s7 =	simm.s32 $0x0;
	s20 =	sshll.u32 s5, $0x1;
	s5 =	sadd.s32 s21, s3  }
0x9d: {  	[timem:s7], [sflag:s22] =	dma.local [hbm:s5], s20  }
0x9e: {  	_ =	swait.ge [sflag:s22], s20  }
0x9f: {  	s4 =	ssub.s32 $0x0, s20;
	[sflag:s22] =	ssyncset.done $0x0  }
0xa0: {  	[sflag:s22] =	ssyncadd.s32 s4;
	_ =	sdelay $0x1  }
0xa1: {  	s23 =	simm.s32 $0x1B8B  }
0xa2: {  	_ =	swait.ge [sflag:s23], $0x1  }
0xa3: {  	[sflag:s23] =	ssyncset.done $0x0  }
0xa4: {  	s25 =	simm.s32 $0x1B8E;
	s24 =	sld [smem:$0x3FFE];
	[sflag:s23] =	ssyncadd.s32 $0xFFFFFFFF  }
0xa5: {  	s26 =	simm.s32 $execute0_lowered;
	[smem:$0x3FD2] =	sst s25  }
0xa6: {  	s5 =	sshll.u32 s26, $0x1;
	_ =	strace $0x80000046;
	[dreg:$0x1] =	wrdreg $0xFFFFFFFF  }
0xa7: {  	s28 =	simm.s32 $_size_execute0_lowered;
	s3 =	sadd.s32 s3, s5;
	[dreg:$0x0] =	wrdreg $0x0  }
0xa8: {  	s5 =	sshll.u32 s28, $0x1;
	[dreg:$0x2] =	wrdreg s3  }
0xa9: {  	[dreg:$0x3] =	wrdreg s5  }
0xaa: {  	[dreg:$0x4] =	wrdreg $0xC0  }
0xab: {  	_ =	task [dreg:s7], $0x5FFFF  }
0xac: {  	[dreg:$0x1] =	wrdreg $0xFFFFFFFF  }
0xad: {  	[dreg:$0x0] =	wrdreg $0x60  }
0xae: {  	[dreg:$0x2] =	wrdreg s24  }
0xaf: {  	[dreg:$0x3] =	wrdreg s2  }
0xb0: {  	[dreg:$0x4] =	wrdreg $0x0  }
0xb1: {  	[dreg:$0x5] =	wrdreg $0x13C000  }
0xb2: {  	[dreg:$0x6] =	wrdreg $0x9  }
0xb3: {  	_ =	task.clear_ibuf [dreg:s7], $0x7FFFF;
	_ =	strace $0x90000046  }
0xb4: {  	s29 =	simm.s32 $0x9;
	_ =	strace $0x80000048  }
0xb5: {  	_ =	swait.ge [sflag:s29], $0x1  }
0xb6: {  	[sflag:s29] =	ssyncadd.s32 $0xFFFFFFFF  }
0xb7: {  	_ =	strace $0x90000048  }
0xb8: {  	_ =	sfence  }
0xb9: {  	s30 =	sld [smem:$0x0];
	_ =	sdelay $0x2  }
0xba: {  	s31 =	sshll.u32 s1, $0xD;
	s1 =	sshrl.u32 s1, $0x2  }
0xbb: {  	s3 =	sand.u32 $0x4000, s31;
	s1 =	sadd.s32 s1, s30  }
0xbc: {  	s0 =	sor.u32 s3, s0;
	s1 =	sshll.u32 s1, $0x11  }
0xbd: {  	s0 =	sor.u32 s1, s0  }
0xbe: {  	s0 =	sadd.s32 $0x8F2B, s0  }
0xbf: {  	[sflag:s0] =	ssyncadd.remote.s32 $0x1  }
0xc0: {  	_ =	sfence.sel $0xFFFF  }
0xc1: {  	[dreg:$0x0] =	wrdreg $0xFFFFFFFF;
	(pc) =	sbr.abs _section_cstart, $3  }
0xc2: {  	[dreg:$0x1] =	wrdreg $0xFFFFFFFF  }
0xc3: {  	_ =	task.clear_ibuf [dreg:s7], $0x2FFFF;
	_ =	strace $0x9FFFFFFF  }
0xc4: {  	(tm) =	ssettm $0x7FFFFFFF  }
0xc5: {  	_ =	shalt  }
tec
execute0_lowered:
.L_overlay_start_1:
0x0: {  	(tag) =	ssettag $0x1  }
0x1: {  	s1 =	rddreg [dreg:$0x0]  }
0x2: {  	s0 =	rddreg [dreg:$0x1];
	s15 =	stileid.u32  }
0x3: {  	s3 =	srdreg.scid;
	s7 =	smul.u32 $0x13C00, s15  }
0x4: {  	s2 =	rddreg [dreg:$0x2];
	s10 =	smul.u32 $0x2780, s15  }
0x5: {  	s4 =	simm.s32 $0x0;
	s28 =	simm.s32 $0x80;
	s12 =	smul.u32 $0x278, s15  }
0x6: {  	s29 =	simm.s32 $0x16980;
	s31 =	simm.s32 $0x1A980;
	s25 =	smul.u32 $0x4F000, s15  }
0x7: {  	s6 =	sand.u32 $0x1, s3;
	s3 =	rddreg [dreg:$0x3];
	s21 =	smul.u32 $0xF000, s15  }
0x8: {  	s30 =	simm.s32 $0x1;
	[smem:$0x7FF] =	sst s4;
	s5 =	smul.u32 $0x13C000, s6  }
0x9: {  	s11 =	sshll.u32 s15, $0x1;
	s8 =	smul.u32 $0x27800, s6;
	_ =	strace $0x80000047  }
0xa: {  	s11 =	sor.u32 s6, s11;
	s13 =	ssub.s32 $0x2, s6;
	s6 =	smul.u32 $0x7800, s6  }
0xb: {  	s11 =	smul.u32 $0x7800, s11;
	s22 =	sshrl.u32 s13, $0x1;
	s14 =	sadd.s32 $0x200, s12  }
0xc: {  	s26 =	sadd.s32 s7, s2;
	s17 =	sshrl.u32 s25, $0x2;
	s18 =	sadd.s32 $0x80, s12  }
0xd: {  	s20 =	sadd.s32 $0x100, s12;
	s5 =	sadd.s32 s7, s5;
	s8 =	sadd.s32 s10, s8  }
0xe: {  	s13 =	ssub.s32 s13, s22;
	s23 =	sshll.u32 s14, $0x7;
	s24 =	sshll.u32 s14, $0x4  }
0xf: {  	s14 =	smul.u32 $0x9E00, s15;
	s19 =	sshll.u32 s18, $0x7;
	s22 =	sshll.u32 s20, $0x7  }
0x10: {  	s6 =	sadd.s32 s6, s21;
	s26 =	sshrl.u32 s26, $0x3;
	s9 =	sshrl.u32 s5, $0x3  }
0x11: {  	s5 =	sadd.s32 $0x1600, s1;
	s8 =	sshrl.u32 s8, $0x3;
	s11 =	sshrl.u32 s11, $0x3  }
0x12: {  	s16 =	smax.u32 s13, $0x1;
	s6 =	sor.u32 $0x600, s6;
	[dreg:$0xf] =	wrdreg s26  }
0x13: {  	s26 =	simm.s32 $0x6;
	s9 =	sadd.s32 s9, s1;
	s1 =	sadd.s32 s8, s1  }
0x14: {  	s8 =	sadd.s32 s23, s2;
	s11 =	sadd.s32 s0, s11;
	[dreg:$0xa] =	wrdreg s16  }
0x15: {  	s7 =	sshrl.u32 s14, $0x2;
	s23 =	sadd.s32 s22, s2;
	s6 =	sshrl.u32 s6, $0x3  }
0x16: {  	s22 =	simm.s32 $0x7;
	[dreg:$0x5] =	wrdreg s8;
	s8 =	sadd.s32 s24, s3  }
0x17: {  	[dreg:$0x6] =	wrdreg s11;
	s11 =	sadd.s32 $0x60, s11;
	s9 =	sadd.s32 $0x32C00, s9  }
0x18: {  	s1 =	sadd.s32 $0x28E00, s1;
	s14 =	sadd.s32 s7, s3;
	[dreg:$0xd] =	wrdreg s23  }
0x19: {  	s7 =	sadd.s32 s19, s2;
	s24 =	sadd.s32 $0x180, s12;
	[dreg:$0x7] =	wrdreg s11  }
0x1a: {  	s19 =	simm.s32 $0x16680;
	s12 =	simm.s32 $0x0;
	[dreg:$0x8] =	wrdreg s9  }
0x1b: {  	[dreg:$0x9] =	wrdreg s1;
	s1 =	sadd.s32 s10, s3;
	s10 =	sadd.s32 s17, s2  }
0x1c: {  	[dreg:$0xc] =	wrdreg s7;
	s11 =	sshll.u32 s18, $0x4;
	s7 =	sshll.u32 s20, $0x4  }
0x1d: {  	s25 =	sshll.u32 s24, $0x7;
	s9 =	simm.s32 $0x3;
	[dreg:$0xb] =	wrdreg s10  }
0x1e: {  	s16 =	sadd.s32 s11, s3;
	s18 =	sadd.s32 s7, s3;
	s7 =	sshll.u32 s24, $0x4  }
0x1f: {  	s10 =	sadd.s32 s25, s2;
	s25 =	sshrl.u32 s1, $0x3;
	s11 =	simm.s32 $0x5  }
0x20: {  	[dreg:$0xe] =	wrdreg s10;
	s20 =	sadd.s32 s7, s3;
	s7 =	sadd.s32 s6, s0  }
0x21: {  	v0 =	vimm.f32 $0.0e+00;
	v1 =	vimm.f32 $6.250000000e-02;
	s0 =	simm.s32 $0x1E980;
	s6 =	simm.s32 $0x2;
	s10 =	simm.s32 $0x4  }
.LBB2_1:
0x22: {  	s13 =	simm.s32 $0x169C0  }
0x23: {  	[tilespmem:s13+$0xFFFFFFD0] =	vst v0  }
0x24: {  	[tilespmem:s13+$0xFFFFFFE0] =	vst v0  }
0x25: {  	[tilespmem:s13+$0xFFFFFFF0] =	vst v0  }
0x26: {  	[tilespmem:s13+$0x0] =	vst v0  }
0x27: {  	[tilespmem:s13+$0x10] =	vst v0  }
0x28: {  	[tilespmem:s13+$0x20] =	vst v0  }
0x29: {  	[tilespmem:s13+$0x30] =	vst v0  }
0x2a: {  	s17 =	simm.s32 $0x0;
	s15 =	simm.s32 $0x40;
	[tilespmem:s13+$0xFFFFFFC0] =	vst v0  }
.LBB2_2:
0x2b: {  	p0 =	sne.s32 s15, $0x1FC0;
	[tilespmem:s17+$0x1E980] =	vst v1;
	s13 =	sadd.s32 $0x80, s13  }
0x2c: {  	[tilespmem:s13+$0xFFFFFFD0] =	vst v0  }
0x2d: {  	[tilespmem:s13+$0xFFFFFFE0] =	vst v0  }
0x2e: {  	[tilespmem:s13+$0xFFFFFFF0] =	vst v0  }
.Ltmp0:
0x2f: {  	[tilespmem:s13+$0x0] =	vst v0;
	(pc) =	sbr.rel @p0 .LBB2_2-.Ltmp0, $4  }
0x30: {  	[tilespmem:s13+$0x10] =	vst v0  }
0x31: {  	[tilespmem:s13+$0x20] =	vst v0  }
0x32: {  	[tilespmem:s13+$0x30] =	vst v0  }
0x33: {  	s17 =	sshra.s32 s15, $0x2;
	s15 =	sadd.s32 $0x40, s15;
	[tilespmem:s13+$0xFFFFFFC0] =	vst v0  }
0x34: {  	[tilespmem:s17+$0x1E980] =	vst v1;
	s13 =	simm.s32 $0x16980;
	s1 =	rddreg [dreg:$0xb]  }
0x35: {  	[spmem:s1] =	stream.linear.scatter [tilespmem:s13], [sflag:$0x7], $0x4000, $0x38;
	[tilespmem:$0x1F180] =	vst v63  }
0x36: {  	_ =	swait.ge [sflag:s22], $0x4000  }
0x37: {  	[sflag:s22] =	ssyncset.done $0x0  }
0x38: {  	s15 =	sadd.s32 $0x0, s14;
	[sflag:s22] =	ssyncadd.s32 $0xFFFFC000  }
0x39: {  	[spmem:s15] =	stream.linear.scatter [tilespmem:s13], [sflag:$0x7], $0x10, $0x38;
	[tilespmem:$0x1F180] =	vst v63  }
0x3a: {  	s15 =	simm.s32 $0x40  }
.LBB2_4:
0x3b: {  	p0 =	sne.s32 s15, $0x1FC0  }
.Ltmp1:
0x3c: {  	_ = 	snop;
	(pc) =	sbr.rel @p0 .LBB2_4-.Ltmp1, $4  }
0x3d: {  	_ = 	snop  }
0x3e: {  	s17 =	sshra.s32 s15, $0x2;
	s15 =	sadd.s32 $0x40, s15  }
0x3f: {  	s13 =	sadd.s32 $0x80, s13;
	s17 =	sadd.s32 s17, s14  }
0x40: {  	[spmem:s17] =	stream.linear.scatter [tilespmem:s13], [sflag:$0x7], $0x10, $0x38;
	[tilespmem:$0x1F180] =	vst v63  }
0x41: {  	_ =	swait.ge [sflag:s22], $0x800  }
0x42: {  	[sflag:s22] =	ssyncset.done $0x0  }
0x43: {  	s13 =	simm.s32 $0x16980;
	s1 =	rddreg [dreg:$0xc];
	[sflag:s22] =	ssyncadd.s32 $0xFFFFF800  }
0x44: {  	[spmem:s1] =	stream.linear.scatter [tilespmem:s13], [sflag:$0x7], $0x4000, $0x38;
	[tilespmem:$0x1F180] =	vst v63  }
0x45: {  	_ =	swait.ge [sflag:s22], $0x4000  }
0x46: {  	[sflag:s22] =	ssyncset.done $0x0  }
0x47: {  	s15 =	sadd.s32 $0x0, s16;
	[sflag:s22] =	ssyncadd.s32 $0xFFFFC000  }
0x48: {  	[spmem:s15] =	stream.linear.scatter [tilespmem:s13], [sflag:$0x7], $0x10, $0x38;
	[tilespmem:$0x1F180] =	vst v63  }
0x49: {  	s15 =	simm.s32 $0x40  }
.LBB2_6:
0x4a: {  	p0 =	sne.s32 s15, $0x1FC0  }
.Ltmp2:
0x4b: {  	_ = 	snop;
	(pc) =	sbr.rel @p0 .LBB2_6-.Ltmp2, $4  }
0x4c: {  	_ = 	snop  }
0x4d: {  	s17 =	sshra.s32 s15, $0x2;
	s15 =	sadd.s32 $0x40, s15  }
0x4e: {  	s13 =	sadd.s32 $0x80, s13;
	s17 =	sadd.s32 s17, s16  }
0x4f: {  	[spmem:s17] =	stream.linear.scatter [tilespmem:s13], [sflag:$0x7], $0x10, $0x38;
	[tilespmem:$0x1F180] =	vst v63  }
0x50: {  	_ =	swait.ge [sflag:s22], $0x800  }
0x51: {  	[sflag:s22] =	ssyncset.done $0x0  }
0x52: {  	s13 =	simm.s32 $0x16980;
	s1 =	rddreg [dreg:$0xd];
	[sflag:s22] =	ssyncadd.s32 $0xFFFFF800  }
0x53: {  	[spmem:s1] =	stream.linear.scatter [tilespmem:s13], [sflag:$0x7], $0x4000, $0x38;
	[tilespmem:$0x1F180] =	vst v63  }
0x54: {  	_ =	swait.ge [sflag:s22], $0x4000  }
0x55: {  	[sflag:s22] =	ssyncset.done $0x0  }
0x56: {  	s15 =	sadd.s32 $0x0, s18;
	[sflag:s22] =	ssyncadd.s32 $0xFFFFC000  }
0x57: {  	[spmem:s15] =	stream.linear.scatter [tilespmem:s13], [sflag:$0x7], $0x10, $0x38;
	[tilespmem:$0x1F180] =	vst v63  }
0x58: {  	s15 =	simm.s32 $0x40  }
.LBB2_8:
0x59: {  	p0 =	sne.s32 s15, $0x1FC0  }
.Ltmp3:
0x5a: {  	_ = 	snop;
	(pc) =	sbr.rel @p0 .LBB2_8-.Ltmp3, $4  }
0x5b: {  	_ = 	snop  }
0x5c: {  	s17 =	sshra.s32 s15, $0x2;
	s15 =	sadd.s32 $0x40, s15  }
0x5d: {  	s13 =	sadd.s32 $0x80, s13;
	s17 =	sadd.s32 s17, s18  }
0x5e: {  	[spmem:s17] =	stream.linear.scatter [tilespmem:s13], [sflag:$0x7], $0x10, $0x38;
	[tilespmem:$0x1F180] =	vst v63  }
0x5f: {  	_ =	swait.ge [sflag:s22], $0x800  }
0x60: {  	[sflag:s22] =	ssyncset.done $0x0  }
0x61: {  	s13 =	simm.s32 $0x16980;
	s1 =	rddreg [dreg:$0xe];
	[sflag:s22] =	ssyncadd.s32 $0xFFFFF800  }
0x62: {  	[spmem:s1] =	stream.linear.scatter [tilespmem:s13], [sflag:$0x7], $0x4000, $0x38;
	[tilespmem:$0x1F180] =	vst v63  }
0x63: {  	_ =	swait.ge [sflag:s22], $0x4000  }
0x64: {  	[sflag:s22] =	ssyncset.done $0x0  }
0x65: {  	s15 =	sadd.s32 $0x0, s20;
	[sflag:s22] =	ssyncadd.s32 $0xFFFFC000  }
0x66: {  	[spmem:s15] =	stream.linear.scatter [tilespmem:s13], [sflag:$0x7], $0x10, $0x38;
	[tilespmem:$0x1F180] =	vst v63  }
0x67: {  	s15 =	simm.s32 $0x40  }
.LBB2_10:
0x68: {  	p0 =	sne.s32 s15, $0x1FC0  }
.Ltmp4:
0x69: {  	_ = 	snop;
	(pc) =	sbr.rel @p0 .LBB2_10-.Ltmp4, $4  }
0x6a: {  	_ = 	snop  }
0x6b: {  	s17 =	sshra.s32 s15, $0x2;
	s15 =	sadd.s32 $0x40, s15  }
0x6c: {  	s13 =	sadd.s32 $0x80, s13;
	s17 =	sadd.s32 s17, s20  }
0x6d: {  	[spmem:s17] =	stream.linear.scatter [tilespmem:s13], [sflag:$0x7], $0x10, $0x38;
	[tilespmem:$0x1F180] =	vst v63  }
0x6e: {  	_ =	swait.ge [sflag:s22], $0x800  }
0x6f: {  	[sflag:s22] =	ssyncset.done $0x0  }
0x70: {  	s13 =	simm.s32 $0x16980;
	s1 =	rddreg [dreg:$0x5];
	[sflag:s22] =	ssyncadd.s32 $0xFFFFF800  }
0x71: {  	[spmem:s1] =	stream.linear.scatter [tilespmem:s13], [sflag:$0x7], $0x3C00, $0x38;
	[tilespmem:$0x1F180] =	vst v63  }
0x72: {  	_ =	swait.ge [sflag:s22], $0x3C00  }
0x73: {  	[sflag:s22] =	ssyncset.done $0x0  }
0x74: {  	s15 =	sadd.s32 $0x0, s8;
	[sflag:s22] =	ssyncadd.s32 $0xFFFFC400  }
0x75: {  	[spmem:s15] =	stream.linear.scatter [tilespmem:s13], [sflag:$0x7], $0x10, $0x38;
	[tilespmem:$0x1F180] =	vst v63  }
0x76: {  	s15 =	simm.s32 $0x40  }
.LBB2_12:
0x77: {  	p0 =	sne.s32 s15, $0x1DC0  }
.Ltmp5:
0x78: {  	_ = 	snop;
	(pc) =	sbr.rel @p0 .LBB2_12-.Ltmp5, $4  }
0x79: {  	_ = 	snop  }
0x7a: {  	s17 =	sshra.s32 s15, $0x2;
	s15 =	sadd.s32 $0x40, s15  }
0x7b: {  	s13 =	sadd.s32 $0x80, s13;
	s17 =	sadd.s32 s17, s8  }
0x7c: {  	[spmem:s17] =	stream.linear.scatter [tilespmem:s13], [sflag:$0x7], $0x10, $0x38;
	[tilespmem:$0x1F180] =	vst v63  }
0x7d: {  	_ =	swait.ge [sflag:s22], $0x780  }
0x7e: {  	[sflag:s22] =	ssyncset.done $0x0  }
0x7f: {  	[sflag:s22] =	ssyncadd.s32 $0xFFFFF880  }
0x80: {  	[bflag:$0x0] =	sbarrier.arrive $0xFFFF  }
0x81: {  	s13 =	simm.s32 $0x0;
	s15 =	simm.s32 $0x16380;
	s1 =	rddreg [dreg:$0x6]  }
0x82: {  	[tilespmem:s15], [sflag:$0x6] =	stream.linear.gather [hbm4b:s1+s13], $0x300, $0x38;
	[tilespmem:$0x1F180] =	vst v63  }
0x83: {  	_ =	swait.ge [sflag:s26], $0x300  }
0x84: {  	[sflag:s26] =	ssyncset.done $0x0  }
0x85: {  	[sflag:s26] =	ssyncadd.s32 $0xFFFFFD00  }
0x86: {  	[tilespmem:s29], [sflag:$0x1] =	stream.indirect.gather [hbm4b:s5+s28], $0x80, s15, s28, $0xb8;
	[tilespmem:$0x1F180] =	vst v63  }
0x87: {  	s21 =	simm.s32 $0x16400  }
0x88: {  	[tilespmem:s31], [sflag:$0x2] =	stream.indirect.gather [hbm4b:s5+s28], $0x80, s21, s28, $0xb8;
	[tilespmem:$0x1F180] =	vst v63  }
0x89: {  	s23 =	rddreg [dreg:$0x7]  }
0x8a: {  	[tilespmem:s19], [sflag:$0x6] =	stream.linear.gather [hbm4b:s23+s13], $0x300, $0x38;
	[tilespmem:$0x1F180] =	vst v63  }
0x8b: {  	s13 =	sand.u32 $0x1, s13  }
0x8c: {  	s24 =	smul.u32 $0xC00, s13  }
0x8d: {  	_ =	swait.ge [sflag:s30], $0x4000  }
0x8e: {  	[sflag:s30] =	ssyncset.done $0x0;
	s15 =	sshrl.u32 s24, $0x2  }
0x8f: {  	[sflag:s30] =	ssyncadd.s32 $0xFFFFC000;
	s17 =	sor.u32 $0x16480, s15  }
0x90: {  	[spmem:s2] =	stream.indirect.scatter.add.f32 [tilespmem:s29], [sflag:$0x3], $0x80, s17, s28, $0xb8;
	[tilespmem:$0x1F180] =	vst v63  }
0x91: {  	s1 =	sadd.s32 $0x16580, s15  }
0x92: {  	[spmem:s3] =	stream.indirect.scatter.add.f32 [tilespmem:s0], [sflag:$0x5], $0x10, s1, s28, $0xb8;
	[tilespmem:$0x1F180] =	vst v63  }
0x93: {  	_ =	swait.ge [sflag:s6], $0x4000  }
0x94: {  	[sflag:s6] =	ssyncset.done $0x0  }
0x95: {  	s19 =	sadd.s32 $0x16500, s15;
	[sflag:s6] =	ssyncadd.s32 $0xFFFFC000  }
0x96: {  	[spmem:s2] =	stream.indirect.scatter.add.f32 [tilespmem:s31], [sflag:$0x4], $0x80, s19, s28, $0xb8;
	[tilespmem:$0x1F180] =	vst v63  }
0x97: {  	s21 =	sadd.s32 $0x16600, s15  }
0x98: {  	[spmem:s3] =	stream.indirect.scatter.add.f32 [tilespmem:s0], [sflag:$0x5], $0x10, s21, s28, $0xb8;
	[tilespmem:$0x1F180] =	vst v63  }
0x99: {  	_ =	swait.ge [sflag:s9], $0x4000  }
0x9a: {  	s13 =	sxor.u32 $0x1, s13;
	[sflag:s9] =	ssyncset.done $0x0  }
0x9b: {  	s13 =	smul.u32 $0xC00, s13;
	[sflag:s9] =	ssyncadd.s32 $0xFFFFC000  }
0x9c: {  	_ =	swait.ge [sflag:s26], $0x300  }
0x9d: {  	s13 =	sshrl.u32 s13, $0x2;
	[sflag:s26] =	ssyncset.done $0x0  }
0x9e: {  	s23 =	sadd.s32 $0x16380, s13;
	[sflag:s26] =	ssyncadd.s32 $0xFFFFFD00  }
0x9f: {  	[tilespmem:s29], [sflag:$0x1] =	stream.indirect.gather [hbm4b:s5+s28], $0x80, s23, s28, $0xb8;
	[tilespmem:$0x1F180] =	vst v63  }
0xa0: {  	_ =	swait.ge [sflag:s10], $0x4000  }
0xa1: {  	[sflag:s10] =	ssyncset.done $0x0  }
0xa2: {  	s13 =	sor.u32 $0x16400, s13;
	[sflag:s10] =	ssyncadd.s32 $0xFFFFC000  }
0xa3: {  	[tilespmem:s31], [sflag:$0x2] =	stream.indirect.gather [hbm4b:s5+s28], $0x80, s13, s28, $0xb8;
	[tilespmem:$0x1F180] =	vst v63  }
0xa4: {  	_ =	swait.ge [sflag:s11], $0x800  }
0xa5: {  	s24 =	simm.s32 $0x1;
	[sflag:s11] =	ssyncset.done $0x0  }
0xa6: {  	s17 =	sand.u32 $0x1, s24;
	[sflag:s11] =	ssyncadd.s32 $0xFFFFF800  }
0xa7: {  	s24 =	sadd.s32 $0x16380, s15;
	s19 =	simm.s32 $0x2;
	_ =	swait.ge [sflag:s11], $0x800  }
0xa8: {  	s21 =	smov.u32 s7;
	s13 =	sadd.s32 $0x60, s7;
	[sflag:s11] =	ssyncset.done $0x0  }
.LBB2_14:
0xa9: {  	s1 =	smul.u32 $0xC00, s17  }
0xaa: {  	[sflag:s11] =	ssyncadd.s32 $0xFFFFF800;
	s23 =	smov.u32 s19;
	s15 =	sadd.s32 $0x1, s19  }
0xab: {  	[tilespmem:s24], [sflag:$0x6] =	stream.linear.gather [hbm4b:s21+s4], $0x300, $0x38;
	[tilespmem:$0x1F180] =	vst v63  }
0xac: {  	p0 =	sne.s32 s19, $0x25;
	_ =	swait.ge [sflag:s30], $0x4000;
	s19 =	sshrl.u32 s1, $0x2  }
0xad: {  	s21 =	smov.u32 s13;
	[sflag:s30] =	ssyncset.done $0x0;
	s1 =	sor.u32 $0x16480, s19  }
0xae: {  	[sflag:s30] =	ssyncadd.s32 $0xFFFFC000  }
0xaf: {  	[spmem:s2] =	stream.indirect.scatter.add.f32 [tilespmem:s29], [sflag:$0x3], $0x80, s1, s28, $0xb8;
	[tilespmem:$0x1F180] =	vst v63  }
0xb0: {  	s1 =	sadd.s32 $0x16580, s19  }
0xb1: {  	[spmem:s3] =	stream.indirect.scatter.add.f32 [tilespmem:s0], [sflag:$0x5], $0x10, s1, s28, $0xb8;
	[tilespmem:$0x1F180] =	vst v63  }
0xb2: {  	_ =	swait.ge [sflag:s6], $0x4000  }
0xb3: {  	[sflag:s6] =	ssyncset.done $0x0  }
0xb4: {  	s1 =	sadd.s32 $0x16500, s19;
	[sflag:s6] =	ssyncadd.s32 $0xFFFFC000  }
0xb5: {  	[spmem:s2] =	stream.indirect.scatter.add.f32 [tilespmem:s31], [sflag:$0x4], $0x80, s1, s28, $0xb8;
	[tilespmem:$0x1F180] =	vst v63  }
0xb6: {  	s1 =	sadd.s32 $0x16600, s19  }
0xb7: {  	[spmem:s3] =	stream.indirect.scatter.add.f32 [tilespmem:s0], [sflag:$0x5], $0x10, s1, s28, $0xb8;
	[tilespmem:$0x1F180] =	vst v63  }
0xb8: {  	_ =	swait.ge [sflag:s9], $0x4000  }
0xb9: {  	s1 =	sxor.u32 $0x1, s17;
	[sflag:s9] =	ssyncset.done $0x0  }
0xba: {  	s1 =	smul.u32 $0xC00, s1;
	[sflag:s9] =	ssyncadd.s32 $0xFFFFC000  }
0xbb: {  	_ =	swait.ge [sflag:s26], $0x300  }
0xbc: {  	s1 =	sshrl.u32 s1, $0x2;
	[sflag:s26] =	ssyncset.done $0x0  }
0xbd: {  	s17 =	sadd.s32 $0x16380, s1;
	[sflag:s26] =	ssyncadd.s32 $0xFFFFFD00  }
0xbe: {  	[tilespmem:s29], [sflag:$0x1] =	stream.indirect.gather [hbm4b:s5+s28], $0x80, s17, s28, $0xb8;
	[tilespmem:$0x1F180] =	vst v63  }
0xbf: {  	_ =	swait.ge [sflag:s10], $0x4000  }
0xc0: {  	[sflag:s10] =	ssyncset.done $0x0  }
0xc1: {  	s1 =	sor.u32 $0x16400, s1;
	[sflag:s10] =	ssyncadd.s32 $0xFFFFC000  }
0xc2: {  	[tilespmem:s31], [sflag:$0x2] =	stream.indirect.gather [hbm4b:s5+s28], $0x80, s1, s28, $0xb8;
	[tilespmem:$0x1F180] =	vst v63  }
.Ltmp6:
0xc3: {  	_ =	swait.ge [sflag:s11], $0x800;
	(pc) =	sbr.rel @p0 .LBB2_14-.Ltmp6, $4  }
0xc4: {  	[sflag:s11] =	ssyncset.done $0x0  }
0xc5: {  	[sflag:s11] =	ssyncadd.s32 $0xFFFFF800  }
0xc6: {  	s13 =	sadd.s32 $0x60, s13;
	s24 =	sadd.s32 $0x16380, s19;
	_ =	swait.ge [sflag:s11], $0x800  }
0xc7: {  	s19 =	smov.u32 s15;
	s17 =	sand.u32 $0x1, s23;
	[sflag:s11] =	ssyncset.done $0x0  }
0xc8: {  	[sflag:s11] =	ssyncadd.s32 $0xFFFFF800;
	s1 =	smul.u32 $0xC00, s17  }
0xc9: {  	[tilespmem:s24], [sflag:$0x6] =	stream.linear.gather [hbm4b:s21+s4], $0x300, $0x38;
	[tilespmem:$0x1F180] =	vst v63  }
0xca: {  	_ =	swait.ge [sflag:s30], $0x4000  }
0xcb: {  	s1 =	sshrl.u32 s1, $0x2;
	[sflag:s30] =	ssyncset.done $0x0  }
0xcc: {  	s15 =	sor.u32 $0x16480, s1;
	[sflag:s30] =	ssyncadd.s32 $0xFFFFC000  }
0xcd: {  	[spmem:s2] =	stream.indirect.scatter.add.f32 [tilespmem:s29], [sflag:$0x3], $0x80, s15, s28, $0xb8;
	[tilespmem:$0x1F180] =	vst v63  }
0xce: {  	s21 =	sadd.s32 $0x16580, s1  }
0xcf: {  	[spmem:s3] =	stream.indirect.scatter.add.f32 [tilespmem:s0], [sflag:$0x5], $0x10, s21, s28, $0xb8;
	[tilespmem:$0x1F180] =	vst v63  }
0xd0: {  	_ =	swait.ge [sflag:s6], $0x4000  }
0xd1: {  	[sflag:s6] =	ssyncset.done $0x0  }
0xd2: {  	s23 =	sadd.s32 $0x16500, s1;
	[sflag:s6] =	ssyncadd.s32 $0xFFFFC000  }
0xd3: {  	[spmem:s2] =	stream.indirect.scatter.add.f32 [tilespmem:s31], [sflag:$0x4], $0x80, s23, s28, $0xb8;
	[tilespmem:$0x1F180] =	vst v63  }
0xd4: {  	s24 =	sadd.s32 $0x16600, s1  }
0xd5: {  	[spmem:s3] =	stream.indirect.scatter.add.f32 [tilespmem:s0], [sflag:$0x5], $0x10, s24, s28, $0xb8;
	[tilespmem:$0x1F180] =	vst v63  }
0xd6: {  	_ =	swait.ge [sflag:s9], $0x4000  }
0xd7: {  	s19 =	sxor.u32 $0x1, s17;
	[sflag:s9] =	ssyncset.done $0x0  }
0xd8: {  	s15 =	smul.u32 $0xC00, s19;
	[sflag:s9] =	ssyncadd.s32 $0xFFFFC000  }
0xd9: {  	_ =	swait.ge [sflag:s26], $0x300  }
0xda: {  	s15 =	sshrl.u32 s15, $0x2;
	[sflag:s26] =	ssyncset.done $0x0  }
0xdb: {  	s21 =	sadd.s32 $0x16380, s15;
	[sflag:s26] =	ssyncadd.s32 $0xFFFFFD00  }
0xdc: {  	[tilespmem:s29], [sflag:$0x1] =	stream.indirect.gather [hbm4b:s5+s28], $0x80, s21, s28, $0xb8;
	[tilespmem:$0x1F180] =	vst v63  }
0xdd: {  	_ =	swait.ge [sflag:s10], $0x4000  }
0xde: {  	[sflag:s10] =	ssyncset.done $0x0  }
0xdf: {  	s15 =	sor.u32 $0x16400, s15;
	[sflag:s10] =	ssyncadd.s32 $0xFFFFC000  }
0xe0: {  	[tilespmem:s31], [sflag:$0x2] =	stream.indirect.gather [hbm4b:s5+s28], $0x80, s15, s28, $0xb8;
	[tilespmem:$0x1F180] =	vst v63  }
0xe1: {  	_ =	swait.ge [sflag:s11], $0x800  }
0xe2: {  	[sflag:s11] =	ssyncset.done $0x0  }
0xe3: {  	[sflag:s11] =	ssyncadd.s32 $0xFFFFF800  }
0xe4: {  	_ =	swait.ge [sflag:s11], $0x800  }
0xe5: {  	[sflag:s11] =	ssyncset.done $0x0  }
0xe6: {  	s1 =	sadd.s32 $0x16380, s1;
	[sflag:s11] =	ssyncadd.s32 $0xFFFFF800  }
0xe7: {  	[tilespmem:s1], [sflag:$0x6] =	stream.linear.gather [hbm4b:s13+s4], $0x300, $0x38;
	[tilespmem:$0x1F180] =	vst v63  }
0xe8: {  	_ =	swait.ge [sflag:s30], $0x4000  }
0xe9: {  	[sflag:s30] =	ssyncset.done $0x0  }
0xea: {  	s23 =	simm.s32 $0x16480;
	[sflag:s30] =	ssyncadd.s32 $0xFFFFC000  }
0xeb: {  	[spmem:s2] =	stream.indirect.scatter.add.f32 [tilespmem:s29], [sflag:$0x3], $0x80, s23, s28, $0xb8;
	[tilespmem:$0x1F180] =	vst v63  }
0xec: {  	s24 =	simm.s32 $0x16580  }
0xed: {  	[spmem:s3] =	stream.indirect.scatter.add.f32 [tilespmem:s0], [sflag:$0x5], $0x10, s24, s28, $0xb8;
	[tilespmem:$0x1F180] =	vst v63  }
0xee: {  	_ =	swait.ge [sflag:s6], $0x4000  }
0xef: {  	[sflag:s6] =	ssyncset.done $0x0  }
0xf0: {  	s13 =	simm.s32 $0x16500;
	[sflag:s6] =	ssyncadd.s32 $0xFFFFC000  }
0xf1: {  	[spmem:s2] =	stream.indirect.scatter.add.f32 [tilespmem:s31], [sflag:$0x4], $0x80, s13, s28, $0xb8;
	[tilespmem:$0x1F180] =	vst v63  }
0xf2: {  	s15 =	simm.s32 $0x16600  }
0xf3: {  	[spmem:s3] =	stream.indirect.scatter.add.f32 [tilespmem:s0], [sflag:$0x5], $0x10, s15, s28, $0xb8;
	[tilespmem:$0x1F180] =	vst v63  }
0xf4: {  	_ =	swait.ge [sflag:s9], $0x4000  }
0xf5: {  	[sflag:s9] =	ssyncset.done $0x0  }
0xf6: {  	[sflag:s9] =	ssyncadd.s32 $0xFFFFC000  }
0xf7: {  	_ =	swait.ge [sflag:s26], $0x300  }
0xf8: {  	[sflag:s26] =	ssyncset.done $0x0  }
0xf9: {  	s19 =	simm.s32 $0x16680;
	[sflag:s26] =	ssyncadd.s32 $0xFFFFFD00  }
0xfa: {  	[tilespmem:s29], [sflag:$0x1] =	stream.indirect.gather [hbm4b:s5+s28], $0x80, s19, s28, $0xb8;
	[tilespmem:$0x1F180] =	vst v63  }
0xfb: {  	_ =	swait.ge [sflag:s10], $0x4000  }
0xfc: {  	[sflag:s10] =	ssyncset.done $0x0  }
0xfd: {  	s17 =	simm.s32 $0x16700;
	[sflag:s10] =	ssyncadd.s32 $0xFFFFC000  }
0xfe: {  	[tilespmem:s31], [sflag:$0x2] =	stream.indirect.gather [hbm4b:s5+s28], $0x80, s17, s28, $0xb8;
	[tilespmem:$0x1F180] =	vst v63  }
0xff: {  	_ =	swait.ge [sflag:s11], $0x800  }
0x100: {  	[sflag:s11] =	ssyncset.done $0x0  }
0x101: {  	[sflag:s11] =	ssyncadd.s32 $0xFFFFF800  }
0x102: {  	_ =	swait.ge [sflag:s11], $0x800  }
0x103: {  	[sflag:s11] =	ssyncset.done $0x0  }
0x104: {  	[sflag:s11] =	ssyncadd.s32 $0xFFFFF800  }
0x105: {  	_ =	swait.ge [sflag:s30], $0x4000  }
0x106: {  	[sflag:s30] =	ssyncset.done $0x0  }
0x107: {  	s21 =	simm.s32 $0x16780;
	[sflag:s30] =	ssyncadd.s32 $0xFFFFC000  }
0x108: {  	[spmem:s2] =	stream.indirect.scatter.add.f32 [tilespmem:s29], [sflag:$0x3], $0x80, s21, s28, $0xb8;
	[tilespmem:$0x1F180] =	vst v63  }
0x109: {  	s23 =	simm.s32 $0x16880  }
0x10a: {  	[spmem:s3] =	stream.indirect.scatter.add.f32 [tilespmem:s0], [sflag:$0x5], $0x10, s23, s28, $0xb8;
	[tilespmem:$0x1F180] =	vst v63  }
0x10b: {  	_ =	swait.ge [sflag:s6], $0x4000  }
0x10c: {  	[sflag:s6] =	ssyncset.done $0x0  }
0x10d: {  	s24 =	simm.s32 $0x16800;
	[sflag:s6] =	ssyncadd.s32 $0xFFFFC000  }
0x10e: {  	[spmem:s2] =	stream.indirect.scatter.add.f32 [tilespmem:s31], [sflag:$0x4], $0x80, s24, s28, $0xb8;
	[tilespmem:$0x1F180] =	vst v63  }
0x10f: {  	s13 =	simm.s32 $0x16900  }
0x110: {  	[spmem:s3] =	stream.indirect.scatter.add.f32 [tilespmem:s0], [sflag:$0x5], $0x10, s13, s28, $0xb8;
	[tilespmem:$0x1F180] =	vst v63  }
0x111: {  	_ =	swait.ge [sflag:s9], $0x4000  }
0x112: {  	[sflag:s9] =	ssyncset.done $0x0  }
0x113: {  	[sflag:s9] =	ssyncadd.s32 $0xFFFFC000  }
0x114: {  	_ =	swait.ge [sflag:s10], $0x4000  }
0x115: {  	[sflag:s10] =	ssyncset.done $0x0  }
0x116: {  	[sflag:s10] =	ssyncadd.s32 $0xFFFFC000  }
0x117: {  	_ =	swait.ge [sflag:s11], $0x800  }
0x118: {  	[sflag:s11] =	ssyncset.done $0x0  }
0x119: {  	[sflag:s11] =	ssyncadd.s32 $0xFFFFF800  }
0x11a: {  	_ =	swait.ge [sflag:s11], $0x800  }
0x11b: {  	[sflag:s11] =	ssyncset.done $0x0  }
0x11c: {  	[sflag:s11] =	ssyncadd.s32 $0xFFFFF800  }
0x11d: {  	s15 =	stileid.u32;
	[bflag:$0x0] =	sbarrier.arrive $0xFFFF  }
0x11e: {  	s1 =	sshll.u32 s15, $0x6;
	s17 =	rddreg [dreg:$0x8]  }
0x11f: {  	s1 =	sor.u32 $0x1C07, s1;
	s21 =	rddreg [dreg:$0xf]  }
0x120: {  	[hbm:s17], [sflag:s1] =	dma.local [spmem:s21], $0x2780  }
0x121: {  	_ =	swait.ge [sflag:s22], $0x2780  }
0x122: {  	[sflag:s22] =	ssyncset.done $0x0  }
0x123: {  	s23 =	rddreg [dreg:$0x9];
	[sflag:s22] =	ssyncadd.s32 $0xFFFFD880  }
0x124: {  	[hbm:s23], [sflag:s1] =	dma.local [spmem:s25], $0x4F0  }
0x125: {  	_ =	swait.ge [sflag:s22], $0x4F0  }
0x126: {  	s12 =	sadd.s32 $0x1, s12;
	s24 =	rddreg [dreg:$0xa]  }
0x127: {  	p0 =	sne.s32 s12, s24  }
.Ltmp7:
0x128: {  	_ = 	snop;
	(pc) =	sbr.rel @p0 .LBB2_1-.Ltmp7, $3  }
0x129: {  	_ =	sdelay $0x1  }
0x12a: {  	[sflag:s22] =	ssyncset.done $0x0  }
0x12b: {  	[sflag:s22] =	ssyncadd.s32 $0xFFFFFB10  }
0x12c: {  	_ =	sfence.sel $0x180000  }
0x12d: {  	[bflag:$0x0] =	sbarrier.arrive $0xFFFF  }
0x12e: {  	_ =	strace $0x90000047  }
0x12f: {  	s0 =	stileid.u32;
	[bflag:$0x2] =	sbarrier.arrive $0xFFFF  }
0x130: {  	p0 =	sne.s32 s0, $0x0;
	s0 =	rddreg [dreg:$0x4]  }
0x131: {  	s0 =	sadd.s32 @!p0 $0x100000, s0  }
0x132: {  	[sflag:s0] =	ssyncadd.tile.s32 @!p0 $0x1;
	_ =	shalt  }
.Lfunc_end2:
_tile_overlayer_lowered:
.L_overlay_start_2:
0x133: {  	(tag) =	ssettag $0x2  }
0x134: {  	s0 =	rddreg [dreg:$0x0];
	s2 =	stileid.u32  }
0x135: {  	s1 =	rddreg [dreg:$0x1];
	p0 =	sne.s32 s2, $0x0  }
0x136: {  	s3 =	rddreg [dreg:$0x2];
	[bflag:$0x3] =	sbarrier.arrive $0xFFFF;
	s2 =	simm.s32 @!p0 $0x1C07  }
0x137: {  	[timem:s3], [sflag:s2] =	dma.local @!p0 [hbm:s0], s1  }
0x138: {  	s0 =	simm.s32 @!p0 $0x7  }
0x139: {  	_ =	swait.ge @!p0 [sflag:s0], s1  }
0x13a: {  	s1 =	ssub.s32 @!p0 $0x0, s1;
	[sflag:s0] =	ssyncset.done @!p0 $0x0  }
0x13b: {  	[sflag:s0] =	ssyncadd.s32 @!p0 s1  }
0x13c: {  	[bflag:$0x3] =	sbarrier.arrive $0xFFFF  }
0x13d: {  	_ =	shalt  }

</sc_bundles>
